<compile_context>
chip_gen: v7x
topology: tpu7x:2x2x1
jax: 0.10.2.dev20260603
libtpu: 0.0.44.dev20260713+nightly
codegen_flags: <defaults>
</compile_context>

<pallas_src>
import functools
import math

import jax
import jax.numpy as jnp
from jax import lax
from jax.experimental import pallas as pl
from jax.experimental.pallas import tpu as pltpu
from jax.experimental.pallas import tpu_sc as plsc

B, N, M, Q, D, K, C = 4, 8192, 2048, 2048, 32, 16, 128
NG = N // 16
ROWS = B * Q


def _leaky(x):
    return jnp.where(x >= 0, x, 0.2 * x)


def _k1_body(gpc_ref, wg1_ref, bg1_ref, wg2_ref, bg2_ref,
             pf_ref, gmax_ref, planar_ref):
    j = pl.program_id(1)
    g = gpc_ref[0]
    gp = jnp.concatenate([g, jnp.zeros((g.shape[0], 1), jnp.float32)], axis=1)
    pf = _leaky(jax.lax.dot_general(gp, wg1_ref[...],
                                    (((1,), (0,)), ((), ())),
                                    preferred_element_type=jnp.float32)
                + bg1_ref[...][None, :])
    pf_ref[0] = pf
    gg = _leaky(jax.lax.dot_general(pf, wg2_ref[...],
                                    (((1,), (0,)), ((), ())),
                                    preferred_element_type=jnp.float32)
                + bg2_ref[...][None, :])
    part = jnp.max(gg, axis=0, keepdims=True)

    @pl.when(j == 0)
    def _():
        gmax_ref[...] = jnp.full_like(gmax_ref, -jnp.inf)

    gmax_ref[0] = jnp.maximum(gmax_ref[0], part)
    planar_ref[0] = jnp.transpose(gp, (1, 0))


def _run_k1(global_pc, Wg1p, bg1, Wg2, bg2):
    return pl.pallas_call(
        _k1_body,
        grid=(B, N // 1024),
        in_specs=[
            pl.BlockSpec((1, 1024, 3), lambda b, j: (b, j, 0)),
            pl.BlockSpec((4, 128), lambda b, j: (0, 0)),
            pl.BlockSpec((128,), lambda b, j: (0,)),
            pl.BlockSpec((128, 256), lambda b, j: (0, 0)),
            pl.BlockSpec((256,), lambda b, j: (0,)),
        ],
        out_specs=[
            pl.BlockSpec((1, 1024, 128), lambda b, j: (b, j, 0)),
            pl.BlockSpec((1, 1, 256), lambda b, j: (b, 0, 0)),
            pl.BlockSpec((1, 4, 1024), lambda b, j: (b, 0, j)),
        ],
        out_shape=[
            jax.ShapeDtypeStruct((B, N, 128), jnp.float32),
            jax.ShapeDtypeStruct((B, 1, 256), jnp.float32),
            jax.ShapeDtypeStruct((B, 4, N), jnp.float32),
        ],
    )(global_pc, Wg1p, bg1, Wg2, bg2)


def _k2_body(q_ref, g_ref, gmin_ref):
    j = pl.program_id(2)
    q = q_ref[0]
    gt = g_ref[0]
    qp = jnp.concatenate([q, jnp.zeros((q.shape[0], 1), jnp.float32)], axis=1)
    gg = jnp.sum(gt * gt, axis=0, keepdims=True)
    cross = jax.lax.dot_general(qp, gt, (((1,), (0,)), ((), ())),
                                preferred_element_type=jnp.float32)
    part = gg - 2.0 * cross

    @pl.when(j == 0)
    def _():
        gmin_ref[0] = jnp.full_like(gmin_ref[0], jnp.inf)

    gmin_ref[0] = jnp.minimum(gmin_ref[0], part)


def _run_k2(query, planar):
    return pl.pallas_call(
        _k2_body,
        grid=(B, Q // 512, N // NG),
        in_specs=[
            pl.BlockSpec((1, 512, 3), lambda b, i, j: (b, i, 0)),
            pl.BlockSpec((1, 4, NG), lambda b, i, j: (b, 0, j)),
        ],
        out_specs=pl.BlockSpec((1, 512, NG), lambda b, i, j: (b, i, 0)),
        out_shape=jax.ShapeDtypeStruct((B, Q, NG), jnp.float32),
    )(query, planar)


def _k3_body(lpc_ref, vox_ref, q_ref,
             wl1_ref, bl1_ref, wl2_ref, bl2_ref,
             wvox_ref, bvox_ref, wp_ref, bp_ref, gamma_ref, beta_ref,
             lc_ref, vf_ref, pe_ref, qplanar_ref):
    lp = lpc_ref[...].reshape(B * M, 3)
    lp4 = jnp.concatenate([lp, jnp.zeros((B * M, 1), jnp.float32)], axis=1)
    lh = _leaky(jax.lax.dot_general(lp4, wl1_ref[...], (((1,), (0,)), ((), ())),
                                    preferred_element_type=jnp.float32)
                + bl1_ref[...][None, :])
    l2 = _leaky(jax.lax.dot_general(lh, wl2_ref[...], (((1,), (0,)), ((), ())),
                                    preferred_element_type=jnp.float32)
                + bl2_ref[...][None, :])
    lc_ref[...] = jnp.max(l2.reshape(B, M, 256), axis=1, keepdims=True)

    w2d = wvox_ref[...]
    for b in range(B):
        conv = jax.lax.dot_general(w2d, vox_ref[b], (((0,), (0,)), ((), ())),
                                   preferred_element_type=jnp.float32)
        conv = _leaky(conv + bvox_ref[...][:, None])
        vf_ref[b, 0] = jnp.mean(conv, axis=1)

    q = q_ref[...].reshape(B * Q, 3)
    q4 = jnp.concatenate([q, jnp.zeros((B * Q, 1), jnp.float32)], axis=1)
    pe_raw = jax.lax.dot_general(q4, wp_ref[...], (((1,), (0,)), ((), ())),
                                 preferred_element_type=jnp.float32) \
        + bp_ref[...][None, :]
    qbar = jnp.mean(q4, axis=0, keepdims=True)
    second = jax.lax.dot_general(q4, q4, (((0,), (0,)), ((), ())),
                                 preferred_element_type=jnp.float32) / (B * Q)
    cov = second - jax.lax.dot_general(qbar, qbar, (((0,), (0,)), ((), ())),
                                       preferred_element_type=jnp.float32)
    wp = wp_ref[...]
    wc = jax.lax.dot_general(cov, wp, (((1,), (0,)), ((), ())),
                             preferred_element_type=jnp.float32)
    var = jnp.sum(wp * wc, axis=0)
    mu = jax.lax.dot_general(qbar, wp, (((1,), (0,)), ((), ())),
                             preferred_element_type=jnp.float32)[0] + bp_ref[...]
    inv = gamma_ref[...] / jnp.sqrt(var + 1e-5)
    pe = _leaky((pe_raw - mu[None, :]) * inv[None, :] + beta_ref[...][None, :])
    pe_ref[...] = pe.reshape(B, Q, 128)
    qplanar_ref[...] = jnp.transpose(q4.reshape(B, Q, 4), (0, 2, 1))


def _voxel_patches(voxel):
    v = voxel[..., 0]
    vp = jnp.pad(v, ((0, 0), (0, 2), (0, 2), (0, 2)))
    cols = []
    for i in range(3):
        for j in range(3):
            for k in range(3):
                c = lax.slice(vp, (0, i, j, k), (B, i + 32, j + 32, k + 32),
                              (1, 2, 2, 2))
                cols.append(c.reshape(B, 1, 4096))
    cols.append(jnp.zeros((B, 5, 4096), jnp.float32))
    return jnp.concatenate(cols, axis=1)


def _run_k3(local_pc, voxel, query, Wl1p, bl1, Wl2, bl2, Wvox2d, bvox,
            Wpp, bp, gamma, beta):
    voxel = _voxel_patches(voxel)
    return pl.pallas_call(
        _k3_body,
        out_shape=[
            jax.ShapeDtypeStruct((B, 1, 256), jnp.float32),
            jax.ShapeDtypeStruct((B, 1, 64), jnp.float32),
            jax.ShapeDtypeStruct((B, Q, 128), jnp.float32),
            jax.ShapeDtypeStruct((B, 4, Q), jnp.float32),
        ],
    )(local_pc, voxel, query, Wl1p, bl1, Wl2, bl2, Wvox2d, bvox,
      Wpp, bp, gamma, beta)


def _k5_body(kf_ref, pos_ref, pe_ref, gc_ref, lc_ref, vf_ref,
             wpos_ref, bpos_ref, wq_ref, wk_ref, wv_ref,
             wgc_ref, wlc_ref, wqf_ref, wpe_ref, wvf_ref, bd1_ref,
             wd2_ref, bd2_ref, out_ref):
    kf = kf_ref[...].reshape(256 * K, 128)
    pos = pos_ref[...].reshape(256 * K, 4)
    pos_enc = _leaky(jax.lax.dot_general(pos, wpos_ref[...],
                                         (((1,), (0,)), ((), ())),
                                         preferred_element_type=jnp.float32)
                     + bpos_ref[...][None, :])
    fq = jax.lax.dot_general(kf, wq_ref[...], (((1,), (0,)), ((), ())),
                             preferred_element_type=jnp.float32)
    fk = jax.lax.dot_general(pos_enc, wk_ref[...], (((1,), (0,)), ((), ())),
                             preferred_element_type=jnp.float32)
    fv = jax.lax.dot_general(kf + pos_enc, wv_ref[...], (((1,), (0,)), ((), ())),
                             preferred_element_type=jnp.float32)
    logits = jnp.sum(fq * fk, axis=1).reshape(256, K) / math.sqrt(float(C))
    mx = jnp.max(logits, axis=1, keepdims=True)
    e = jnp.exp(logits - mx)
    attn = e / jnp.sum(e, axis=1, keepdims=True)
    qf = jnp.sum(attn[:, :, None] * fv.reshape(256, K, 128), axis=1)

    cbase = (jax.lax.dot_general(gc_ref[0], wgc_ref[...],
                                 (((1,), (0,)), ((), ())),
                                 preferred_element_type=jnp.float32)
             + jax.lax.dot_general(lc_ref[0], wlc_ref[...],
                                   (((1,), (0,)), ((), ())),
                                   preferred_element_type=jnp.float32)
             + jax.lax.dot_general(vf_ref[0], wvf_ref[...],
                                   (((1,), (0,)), ((), ())),
                                   preferred_element_type=jnp.float32))
    pe = pe_ref[0]
    h = _leaky(jax.lax.dot_general(qf, wqf_ref[...], (((1,), (0,)), ((), ())),
                                   preferred_element_type=jnp.float32)
               + jax.lax.dot_general(pe, wpe_ref[...], (((1,), (0,)), ((), ())),
                                     preferred_element_type=jnp.float32)
               + cbase + bd1_ref[...][None, :])
    o = jax.lax.dot_general(h, wd2_ref[...], (((1,), (0,)), ((), ())),
                            preferred_element_type=jnp.float32) + bd2_ref[...]
    out_ref[0, 0] = o[:, 0]


def _run_k5(knn_feat, knn_pos, pe, gmax, lc, vf,
            WposT, bpos, WqT, WkT, WvT, Wgc, Wlc, Wqf, Wpe, Wvf, bd1,
            Wd2T, bd2):
    nt = Q // 256
    return pl.pallas_call(
        _k5_body,
        grid=(B, nt),
        in_specs=[
            pl.BlockSpec((256, K, 128), lambda b, t: (b * nt + t, 0, 0)),
            pl.BlockSpec((256, K, 4), lambda b, t: (b * nt + t, 0, 0)),
            pl.BlockSpec((1, 256, 128), lambda b, t: (b, t, 0)),
            pl.BlockSpec((1, 1, 256), lambda b, t: (b, 0, 0)),
            pl.BlockSpec((1, 1, 256), lambda b, t: (b, 0, 0)),
            pl.BlockSpec((1, 1, 64), lambda b, t: (b, 0, 0)),
            pl.BlockSpec((4, 128), lambda b, t: (0, 0)),
            pl.BlockSpec((128,), lambda b, t: (0,)),
            pl.BlockSpec((128, 128), lambda b, t: (0, 0)),
            pl.BlockSpec((128, 128), lambda b, t: (0, 0)),
            pl.BlockSpec((128, 128), lambda b, t: (0, 0)),
            pl.BlockSpec((256, 256), lambda b, t: (0, 0)),
            pl.BlockSpec((256, 256), lambda b, t: (0, 0)),
            pl.BlockSpec((128, 256), lambda b, t: (0, 0)),
            pl.BlockSpec((128, 256), lambda b, t: (0, 0)),
            pl.BlockSpec((64, 256), lambda b, t: (0, 0)),
            pl.BlockSpec((256,), lambda b, t: (0,)),
            pl.BlockSpec((256, 1), lambda b, t: (0, 0)),
            pl.BlockSpec((1,), lambda b, t: (0,)),
        ],
        out_specs=pl.BlockSpec((1, 1, 256), lambda b, t: (b, 0, t)),
        out_shape=jax.ShapeDtypeStruct((B, 1, Q), jnp.float32),
    )(knn_feat, knn_pos, pe, gmax, lc, vf,
      WposT, bpos, WqT, WkT, WvT, Wgc, Wlc, Wqf, Wpe, Wvf, bd1, Wd2T, bd2)


_THR_PAD = 2e-3
RPW = ROWS // 32
BR = 8
NB = RPW // BR


def _lane(v, j):
    return lax.squeeze(lax.slice(v, (j,), (j + 1,)), (0,))


def _k4_body(gmin_hbm, qpl_hbm, planar_hbm, pf_hbm, kf_out, pos_out,
             xs, ys, zs, qbuf, gm, gidbuf, dbuf, ibuf,
             idxb0, idxb1, fb0, fb1, pb0, pb1,
             semm0, semm1, semg0, semg1, semw0, semw1, semp0, semp1):
    nc = 2
    wid = lax.axis_index("s") * nc + lax.axis_index("c")
    base = wid * RPW
    b = base // Q
    qoff = base % Q
    iota = lax.iota(jnp.int32, 16)
    inf = jnp.float32(jnp.inf)
    zero16 = jnp.zeros((16,), jnp.int32)
    i4 = iota * 4

    pltpu.sync_copy(planar_hbm.at[b, 0], xs)
    pltpu.sync_copy(planar_hbm.at[b, 1], ys)
    pltpu.sync_copy(planar_hbm.at[b, 2], zs)
    pltpu.sync_copy(qpl_hbm.at[b, :, pl.ds(qoff, RPW)], qbuf)

    def zb(j, _):
        o = pl.ds(pl.multiple_of(j * 16, 16), 16)
        pb0[o] = jnp.zeros((16,), jnp.float32)
        pb1[o] = jnp.zeros((16,), jnp.float32)
        return 0
    lax.fori_loop(0, BR * 8, zb, 0)

    def parity(p, fn0, fn1):
        @pl.when(p == 0)
        def _():
            fn0()

        @pl.when(p == 1)
        def _():
            fn1()

    pltpu.async_copy(gmin_hbm.at[pl.ds(base, BR)], gm.at[pl.ds(0, BR)], semm0)

    def block_body(k, _):
        p = k % 2
        r0 = base + k * BR

        parity(p,
               lambda: pltpu.make_async_copy(gmin_hbm.at[pl.ds(r0, BR)],
                                             gm.at[pl.ds(0, BR)],
                                             semm0).wait(),
               lambda: pltpu.make_async_copy(gmin_hbm.at[pl.ds(r0, BR)],
                                             gm.at[pl.ds(BR, BR)],
                                             semm1).wait())

        @pl.when(k + 1 < NB)
        def _():
            rn = r0 + BR
            parity(1 - p,
                   lambda: pltpu.async_copy(gmin_hbm.at[pl.ds(rn, BR)],
                                            gm.at[pl.ds(0, BR)], semm0),
                   lambda: pltpu.async_copy(gmin_hbm.at[pl.ds(rn, BR)],
                                            gm.at[pl.ds(BR, BR)], semm1))

        @pl.when(k >= 2)
        def _():
            parity(p,
                   lambda: (pltpu.make_async_copy(
                       fb0, kf_out.at[pl.ds((r0 - 2 * BR) * K, BR * K)],
                       semw0).wait(),
                       pltpu.make_async_copy(
                       pb0, pos_out.at[pl.ds((r0 - 2 * BR) * 128, BR * 128)],
                       semp0).wait()),
                   lambda: (pltpu.make_async_copy(
                       fb1, kf_out.at[pl.ds((r0 - 2 * BR) * K, BR * K)],
                       semw1).wait(),
                       pltpu.make_async_copy(
                       pb1, pos_out.at[pl.ds((r0 - 2 * BR) * 128, BR * 128)],
                       semp1).wait()))

        def row_body(rb, _):
            i = k * BR + rb
            ri = p * BR + rb
            si = jnp.full((16,), i, jnp.int32)
            qx = plsc.load_gather(qbuf, [zero16, si])
            qy = plsc.load_gather(qbuf, [zero16 + 1, si])
            qz = plsc.load_gather(qbuf, [zero16 + 2, si])

            def gmrow(j):
                return gm[ri, pl.ds(pl.multiple_of(j * 16, 16), 16)]

            def pa(j, acc):
                return jnp.minimum(acc, gmrow(j))
            acc = lax.fori_loop(0, NG // 16, pa,
                                jnp.full((16,), inf, jnp.float32), unroll=4)
            thr = jnp.max(acc) + _THR_PAD
            thrv = thr + (qx * qx + qy * qy + qz * qz)

            def pb_(j, cnt):
                v = gmrow(j)
                m = v <= thr
                pos = cnt + plsc.cumsum(m.astype(jnp.int32)) - 1
                plsc.store_scatter(gidbuf, [pos], iota + j * 16, mask=m)
                return _lane(pos, 15) + 1
            cnt = lax.fori_loop(0, NG // 16, pb_, 0, unroll=4)

            def pc(ci, _c):
                gid = plsc.load_gather(gidbuf,
                                       [jnp.full((16,), ci, jnp.int32)])
                addr = gid * 16 + iota
                idxv = gid + iota * NG
                px = plsc.load_gather(xs, [addr])
                py = plsc.load_gather(ys, [addr])
                pz = plsc.load_gather(zs, [addr])
                dx, dy, dz = px - qx, py - qy, pz - qz
                d2 = dx * dx + dy * dy + dz * dz
                o = pl.ds(pl.multiple_of(ci * 16, 16), 16)
                dbuf[o] = jnp.where(d2 <= thrv, d2, inf)
                ibuf[o] = idxv
                return 0
            lax.fori_loop(0, cnt, pc, 0)

            def pd(ch, ti):
                tv, tidx = ti
                off = pl.ds(pl.multiple_of(ch * 16, 16), 16)
                dv = dbuf[off]
                hit = plsc.all_reduce_population_count(dv < _lane(tv, 15))

                def merge():
                    iv = ibuf[off]
                    sv, sx = plsc.sort_key_val(dv, iv)
                    rv, ri = lax.rev(sv, (0,)), lax.rev(sx, (0,))
                    keep = tv <= rv
                    sw = plsc.sort_key_val(jnp.where(keep, tv, rv),
                                           jnp.where(keep, tidx, ri))
                    return (sw[0], sw[1])
                return lax.cond(_lane(hit, 0) > 0, merge, lambda: (tv, tidx))
            tv0 = jnp.full((16,), inf, jnp.float32)
            _, topi = lax.fori_loop(0, cnt, pd, (tv0, zero16))

            taddr = ((topi & (NG - 1)) * 16) + (topi >> 9)
            px = plsc.load_gather(xs, [taddr])
            py = plsc.load_gather(ys, [taddr])
            pz = plsc.load_gather(zs, [taddr])
            pidx = i4 + rb * 128
            io = pl.ds(pl.multiple_of(rb * 16, 16), 16)
            gi = topi + b * N
            parity(p,
                   lambda: (plsc.store_scatter(pb0, [pidx], qx - px),
                            plsc.store_scatter(pb0, [pidx + 1], qy - py),
                            plsc.store_scatter(pb0, [pidx + 2], qz - pz),
                            idxb0.__setitem__(io, gi)),
                   lambda: (plsc.store_scatter(pb1, [pidx], qx - px),
                            plsc.store_scatter(pb1, [pidx + 1], qy - py),
                            plsc.store_scatter(pb1, [pidx + 2], qz - pz),
                            idxb1.__setitem__(io, gi)))
            return 0

        lax.fori_loop(0, BR, row_body, 0)

        parity(p,
               lambda: (pltpu.async_copy(pf_hbm.at[idxb0], fb0, semg0),
                        pltpu.async_copy(
                            pb0, pos_out.at[pl.ds(r0 * 128, BR * 128)],
                            semp0)),
               lambda: (pltpu.async_copy(pf_hbm.at[idxb1], fb1, semg1),
                        pltpu.async_copy(
                            pb1, pos_out.at[pl.ds(r0 * 128, BR * 128)],
                            semp1)))

        @pl.when(k >= 1)
        def _():
            rp = r0 - BR
            parity(1 - p,
                   lambda: (pltpu.make_async_copy(pf_hbm.at[idxb0], fb0,
                                                  semg0).wait(),
                            pltpu.async_copy(
                                fb0, kf_out.at[pl.ds(rp * K, BR * K)], semw0)),
                   lambda: (pltpu.make_async_copy(pf_hbm.at[idxb1], fb1,
                                                  semg1).wait(),
                            pltpu.async_copy(
                                fb1, kf_out.at[pl.ds(rp * K, BR * K)], semw1)))
        return 0

    lax.fori_loop(0, NB, block_body, 0)

    rl = base + (NB - 1) * BR
    pltpu.make_async_copy(pf_hbm.at[idxb1], fb1, semg1).wait()
    pltpu.sync_copy(fb1, kf_out.at[pl.ds(rl * K, BR * K)])
    pltpu.make_async_copy(fb0, kf_out.at[pl.ds((rl - BR) * K, BR * K)],
                          semw0).wait()
    pltpu.make_async_copy(pb0, pos_out.at[pl.ds((rl - BR) * 128, BR * 128)],
                          semp0).wait()
    pltpu.make_async_copy(pb1, pos_out.at[pl.ds(rl * 128, BR * 128)],
                          semp1).wait()


def _run_k4(gmin, qplanar, planar, pf_flat):
    f32, i32 = jnp.float32, jnp.int32
    mesh = plsc.VectorSubcoreMesh(core_axis_name="c", subcore_axis_name="s")
    kfn = functools.partial(
        pl.kernel,
        mesh=mesh,
        compiler_params=pltpu.CompilerParams(needs_layout_passes=False),
        out_type=[
            jax.ShapeDtypeStruct((ROWS * K, 128), f32),
            jax.ShapeDtypeStruct((ROWS * 128,), f32),
        ],
        scratch_types=[
            pltpu.VMEM((N,), f32), pltpu.VMEM((N,), f32), pltpu.VMEM((N,), f32),
            pltpu.VMEM((4, RPW), f32),
            pltpu.VMEM((2 * BR, NG), f32),
            pltpu.VMEM((NG + 16,), i32),
            pltpu.VMEM((N + 16,), f32),
            pltpu.VMEM((N + 16,), i32),
            pltpu.VMEM((BR * K,), i32), pltpu.VMEM((BR * K,), i32),
            pltpu.VMEM((BR * K, 128), f32), pltpu.VMEM((BR * K, 128), f32),
            pltpu.VMEM((BR * 128,), f32), pltpu.VMEM((BR * 128,), f32),
            pltpu.SemaphoreType.DMA, pltpu.SemaphoreType.DMA,
            pltpu.SemaphoreType.DMA, pltpu.SemaphoreType.DMA,
            pltpu.SemaphoreType.DMA, pltpu.SemaphoreType.DMA,
            pltpu.SemaphoreType.DMA, pltpu.SemaphoreType.DMA,
        ],
    )(_k4_body)
    planar_shuf = jnp.transpose(planar.reshape(B, 4, 16, NG),
                                (0, 1, 3, 2)).reshape(B, 4, N)
    kf, pos = kfn(gmin.reshape(ROWS, NG), qplanar, planar_shuf, pf_flat)
    return (kf.reshape(ROWS, K, 128),
            pos.reshape(ROWS, 128)[:, :K * 4].reshape(ROWS, K, 4))


def _knn_placeholder(gmin, query, global_pc, pf):
    d = (jnp.sum(query * query, axis=-1)[..., None]
         - 2.0 * jnp.einsum('bqd,bnd->bqn', query, global_pc)
         + jnp.sum(global_pc * global_pc, axis=-1)[:, None, :])
    _, idx = jax.lax.top_k(-d, K)
    knn_xyz = jax.vmap(lambda p, i: p[i])(global_pc, idx)
    knn_feat = jax.vmap(lambda f, i: f[i])(pf, idx)
    knn_pos = query[:, :, None, :] - knn_xyz
    knn_pos = jnp.concatenate(
        [knn_pos, jnp.zeros(knn_pos.shape[:-1] + (1,), jnp.float32)], axis=-1)
    return (knn_feat.reshape(ROWS, K, 128), knn_pos.reshape(ROWS, K, 4))


def kernel(global_pc, local_pc, query, voxel, Wg1, bg1, Wg2, bg2,
           Wl1, bl1, Wl2, bl2, Wvox, bvox, Wp, bp, gamma, beta,
           Wpos, bpos, Wq, Wk, Wv, Wd1, bd1, Wd2, bd2):
    f32 = jnp.float32
    pad1 = lambda w: jnp.concatenate([w, jnp.zeros((1,) + w.shape[1:], f32)], 0)
    Wg1p = pad1(Wg1)
    Wl1p = pad1(Wl1)
    Wvox2d = jnp.concatenate(
        [Wvox.reshape(64, 27).T, jnp.zeros((5, 64), f32)], axis=0)
    WpT = Wp.T
    Wpp = pad1(WpT)
    WposT = jnp.concatenate([Wpos.T, jnp.zeros((1, 128), f32)], 0)

    pf, gmax, planar = _run_k1(global_pc, Wg1p, bg1, Wg2, bg2)
    gmin = _run_k2(query, planar)
    lc, vf, pe, qplanar = _run_k3(local_pc, voxel, query, Wl1p, bl1, Wl2, bl2,
                                  Wvox2d, bvox, Wpp, bp, gamma, beta)

    knn_feat, knn_pos = _run_k4(gmin, qplanar, planar, pf.reshape(B * N, 128))

    out = _run_k5(knn_feat, knn_pos, pe, gmax, lc, vf,
                  WposT, bpos, Wq.T, Wk.T, Wv.T,
                  Wd1[:, 0:256].T, Wd1[:, 256:512].T, Wd1[:, 512:640].T,
                  Wd1[:, 640:768].T, Wd1[:, 768:832].T, bd1,
                  Wd2.T, bd2)
    return out

# --- scband reference (transcript-rebuilt; emitter-appended) ---
"""Pipeline reference for scband-onet-plus-plus2-24077586661646 (READ-ONLY COPY).

The authoritative reference and input builder live on the scoring server;
editing this copy changes nothing except your own understanding.
"""

import jax, jax.numpy as jnp
import numpy as np

B, N, M, Q, D, K, C = 4, 8192, 2048, 2048, 32, 16, 128

def leaky(x):
    return jnp.where(x >= 0, x, 0.2 * x)

def setup_inputs(seed: int = 0):
    key = jax.random.key(seed)
    ks = jax.random.split(key, 20)
    def rn(k, shape):
        return jax.random.normal(k, shape, dtype=jnp.float32) * 0.05
    z = lambda s: jnp.zeros(s, dtype=jnp.float32)
    return {
        'global_pc': jax.random.normal(ks[0], (B, N, 3), dtype=jnp.float32),
        'local_pc': jax.random.normal(ks[1], (B, M, 3), dtype=jnp.float32),
        'query': jax.random.normal(ks[2], (B, Q, 3), dtype=jnp.float32),
        'voxel': jax.random.uniform(ks[3], (B, D, D, D, 1), dtype=jnp.float32),
        'Wg1': rn(ks[4], (3, C)), 'bg1': z((C,)),
        'Wg2': rn(ks[5], (C, 256)), 'bg2': z((256,)),
        'Wl1': rn(ks[6], (3, C)), 'bl1': z((C,)),
        'Wl2': rn(ks[7], (C, 256)), 'bl2': z((256,)),
        'Wvox': rn(ks[8], (64, 1, 3, 3, 3)), 'bvox': z((64,)),
        'Wp': rn(ks[9], (C, 3)), 'bp': z((C,)),
        'gamma': jnp.ones((C,), dtype=jnp.float32), 'beta': z((C,)),
        'Wpos': rn(ks[10], (C, 3)), 'bpos': z((C,)),
        'Wq': rn(ks[11], (C, C)), 'Wk': rn(ks[12], (C, C)), 'Wv': rn(ks[13], (C, C)),
        'Wd1': rn(ks[14], (256, 832)), 'bd1': z((256,)),
        'Wd2': rn(ks[15], (1, 256)), 'bd2': z((1,)),
    }

def reference(global_pc, local_pc, query, voxel, Wg1, bg1, Wg2, bg2, Wl1, bl1, Wl2, bl2, Wvox, bvox, Wp, bp, gamma, beta, Wpos, bpos, Wq, Wk, Wv, Wd1, bd1, Wd2, bd2):
    b = global_pc.shape[0]
    # global encoder: per-point MLP -> point_feature [B,N,128]; maxpool -> global_c [B,1,256]
    point_feature = leaky(global_pc @ Wg1 + bg1)
    g = leaky(point_feature @ Wg2 + bg2)
    global_c = jnp.max(g, axis=1, keepdims=True)
    # local encoder -> local_c [B,1,256]
    lh = leaky(local_pc @ Wl1 + bl1)
    local_c = jnp.max(leaky(lh @ Wl2 + bl2), axis=1, keepdims=True)
    # knn(query, global_pc, 16): brute-force squared distances + top_k
    d = (jnp.sum(query * query, axis=-1)[..., None]
         - 2.0 * jnp.einsum('bqd,bnd->bqn', query, global_pc)
         + jnp.sum(global_pc * global_pc, axis=-1)[:, None, :])
    _, idx = jax.lax.top_k(-d, K)  # idx [B,Q,K]
    # per-batch neighbor gathers (the python loop in the torch code, vectorized)
    knn_xyz = jax.vmap(lambda p, i: p[i])(global_pc, idx)        # [B,Q,K,3]
    knn_feat = jax.vmap(lambda f, i: f[i])(point_feature, idx)   # [B,Q,K,128]
    knn_pos = query[:, :, None, :] - knn_xyz                      # [B,Q,K,3]
    # voxel cnn
    v = jnp.transpose(voxel, (0, 4, 1, 2, 3))
    vf = jax.lax.conv_general_dilated(v, Wvox, window_strides=(2, 2, 2), padding='SAME', dimension_numbers=('NCDHW', 'OIDHW', 'NCDHW'))
    vf = leaky(vf + bvox[None, :, None, None, None])
    voxel_feature = jnp.mean(vf, axis=(2, 3, 4)).reshape(b, 64, 1)
    # position embedding: Conv1d(3,128,k=1) + BatchNorm1d + LeakyReLU(0.2)
    qT = jnp.transpose(query, (0, 2, 1))
    pe = jnp.einsum('oc,bcq->boq', Wp, qT) + bp[None, :, None]
    mu = jnp.mean(pe, axis=(0, 2), keepdims=True)
    var = jnp.var(pe, axis=(0, 2), keepdims=True)
    pe = leaky(gamma[None, :, None] * (pe - mu) / jnp.sqrt(var + 1e-5) + beta[None, :, None])
    # attention over the 16 neighbors (fc_query / attentionnet)
    pos_enc = leaky(jnp.einsum('oc,bqkc->bqko', Wpos, knn_pos) + bpos)
    fq = jnp.einsum('oc,bqkc->bqko', Wq, knn_feat)
    fk = jnp.einsum('oc,bqkc->bqko', Wk, pos_enc)
    attn = jax.nn.softmax(jnp.sum(fq * fk, axis=-1) / jnp.sqrt(float(C)), axis=-1)
    fv = jnp.einsum('oc,bqkc->bqko', Wv, knn_feat + pos_enc)
    qf = jnp.sum(attn[..., None] * fv, axis=2)                    # [B,Q,128]
    query_feature = jnp.concatenate([jnp.transpose(qf, (0, 2, 1)), pe], axis=1)  # [B,256,Q]
    # decoder on concat(global_c, local_c, query_feature, voxel_feature)
    nq = query_feature.shape[2]
    gc = jnp.broadcast_to(jnp.transpose(global_c, (0, 2, 1)), (b, 256, nq))
    lc = jnp.broadcast_to(jnp.transpose(local_c, (0, 2, 1)), (b, 256, nq))
    vfb = jnp.broadcast_to(voxel_feature, (b, 64, nq))
    feat = jnp.concatenate([gc, lc, query_feature, vfb], axis=1)  # [B,832,Q]
    h = leaky(jnp.einsum('oc,bcq->boq', Wd1, feat) + bd1[None, :, None])
    out = jnp.einsum('oc,bcq->boq', Wd2, h) + bd2[None, :, None]
    return out

if __name__ == "__main__":
    import jax
    _d = setup_inputs()
    print(jax.jit(kernel)(*tuple(_d.values())))

</pallas_src>

<mosaic_0001>
#map = affine_map<(d0, d1) -> (0, 0)>
#map1 = affine_map<(d0, d1) -> (0, 0, 0)>
#map2 = affine_map<(d0, d1) -> (0)>
module attributes {stable_mosaic.version = 14 : i64} {
  func.func @_k4_body(%arg0: i32, %arg1: i32, %arg2: memref<8192x512xf32, #tpu.memory_space<hbm>>, %arg3: memref<4x4x2048xf32, #tpu.memory_space<hbm>>, %arg4: memref<4x4x8192xf32, #tpu.memory_space<hbm>>, %arg5: memref<32768x128xf32, #tpu.memory_space<hbm>>, %arg6: memref<131072x128xf32, #tpu.memory_space<hbm>>, %arg7: memref<1048576xf32, #tpu.memory_space<hbm>>, %arg8: memref<8192xf32, #tpu.memory_space<vmem>>, %arg9: memref<8192xf32, #tpu.memory_space<vmem>>, %arg10: memref<8192xf32, #tpu.memory_space<vmem>>, %arg11: memref<4x256xf32, #tpu.memory_space<vmem>>, %arg12: memref<16x512xf32, #tpu.memory_space<vmem>>, %arg13: memref<528xi32, #tpu.memory_space<vmem>>, %arg14: memref<8208xf32, #tpu.memory_space<vmem>>, %arg15: memref<8208xi32, #tpu.memory_space<vmem>>, %arg16: memref<128xi32, #tpu.memory_space<vmem>>, %arg17: memref<128xi32, #tpu.memory_space<vmem>>, %arg18: memref<128x128xf32, #tpu.memory_space<vmem>>, %arg19: memref<128x128xf32, #tpu.memory_space<vmem>>, %arg20: memref<1024xf32, #tpu.memory_space<vmem>>, %arg21: memref<1024xf32, #tpu.memory_space<vmem>>, %arg22: memref<!tpu.dma_semaphore, #tpu.memory_space<semaphore_mem>>, %arg23: memref<!tpu.dma_semaphore, #tpu.memory_space<semaphore_mem>>, %arg24: memref<!tpu.dma_semaphore, #tpu.memory_space<semaphore_mem>>, %arg25: memref<!tpu.dma_semaphore, #tpu.memory_space<semaphore_mem>>, %arg26: memref<!tpu.dma_semaphore, #tpu.memory_space<semaphore_mem>>, %arg27: memref<!tpu.dma_semaphore, #tpu.memory_space<semaphore_mem>>, %arg28: memref<!tpu.dma_semaphore, #tpu.memory_space<semaphore_mem>>, %arg29: memref<!tpu.dma_semaphore, #tpu.memory_space<semaphore_mem>>) attributes {dimension_semantics = [#tpu.dimension_semantics<core_parallel>, #tpu.dimension_semantics<subcore_parallel>], iteration_bounds = array<i64: 2, 16>, scalar_prefetch = 0 : i64, scratch_operands = 22 : i64, tpu.core_type = #tpu.core_type<sc_vector_subcore>, window_params = [{transform_indices = #map}, {transform_indices = #map1}, {transform_indices = #map1}, {transform_indices = #map}, {transform_indices = #map}, {transform_indices = #map2}]} {
    %mul3A = arith.constant 2 : i32
    %mul3A_0 = arith.muli %arg1, %mul3A : i32
    %add3A = arith.addi %mul3A_0, %arg0 : i32
    %mul3A_1 = arith.constant 256 : i32
    %mul3A_2 = arith.muli %add3A, %mul3A_1 : i32
    %jit3A = arith.constant 2048 : i32
    %div3A = arith.divsi %mul3A_2, %jit3A : i32
    %sign3A = arith.constant 0 : i32
    %sign3A_3 = arith.cmpi sgt, %mul3A_2, %sign3A : i32
    %sign3A_4 = arith.extui %sign3A_3 : i1 to i32
    %sign3A_5 = arith.constant 0 : i32
    %sign3A_6 = arith.cmpi slt, %mul3A_2, %sign3A_5 : i32
    %sign3A_7 = arith.extui %sign3A_6 : i1 to i32
    %sign3A_8 = arith.subi %sign3A_4, %sign3A_7 : i32
    %sign3A_9 = arith.constant 0 : i32
    %sign3A_10 = arith.cmpi sgt, %jit3A, %sign3A_9 : i32
    %sign3A_11 = arith.extui %sign3A_10 : i1 to i32
    %sign3A_12 = arith.constant 0 : i32
    %sign3A_13 = arith.cmpi slt, %jit3A, %sign3A_12 : i32
    %sign3A_14 = arith.extui %sign3A_13 : i1 to i32
    %sign3A_15 = arith.subi %sign3A_11, %sign3A_14 : i32
    %ne3A = arith.cmpi ne, %sign3A_8, %sign3A_15 : i32
    %rem3A = arith.remsi %mul3A_2, %jit3A : i32
    %ne3A_16 = arith.constant 0 : i32
    %ne3A_17 = arith.cmpi ne, %rem3A, %ne3A_16 : i32
    %and3A = arith.andi %ne3A, %ne3A_17 : i1
    %sub3A = arith.constant 1 : i32
    %sub3A_18 = arith.subi %div3A, %sub3A : i32
    %select_n3A = arith.select %and3A, %sub3A_18, %div3A : i32
    %jit3A_19 = arith.constant 2048 : i32
    %eq3A = arith.constant 0 : i32
    %eq3A_20 = arith.cmpi eq, %jit3A_19, %eq3A : i32
    %jit3A_21 = arith.constant 1 : i32
    %select_n3A_22 = arith.select %eq3A_20, %jit3A_21, %jit3A_19 : i32
    %rem3A_23 = arith.remsi %mul3A_2, %select_n3A_22 : i32
    %ne3A_24 = arith.constant 0 : i32
    %ne3A_25 = arith.cmpi ne, %rem3A_23, %ne3A_24 : i32
    %lt3A = arith.constant 0 : i32
    %lt3A_26 = arith.cmpi slt, %rem3A_23, %lt3A : i32
    %lt3A_27 = arith.constant 0 : i32
    %lt3A_28 = arith.cmpi slt, %select_n3A_22, %lt3A_27 : i32
    %ne3A_29 = arith.xori %lt3A_26, %lt3A_28 : i1
    %and3A_30 = arith.andi %ne3A_29, %ne3A_25 : i1
    %add3A_31 = arith.addi %rem3A_23, %select_n3A_22 : i32
    %select_n3A_32 = arith.select %and3A_30, %add3A_31, %rem3A_23 : i32
    %iota3A = tpu.iota {dimensions = array<i32: 0>} : vector<16xi32>
    %broadcast_in_dim3A = arith.constant 0 : i32
    %broadcast_in_dim3A_33 = vector.broadcast %broadcast_in_dim3A : i32 to vector<16xi32>
    %mul3A_34 = arith.constant 4 : i32
    %mul3A_35 = vector.broadcast %mul3A_34 : i32 to vector<16xi32>
    %mul3A_36 = arith.muli %iota3A, %mul3A_35 : vector<16xi32>
    %run_scoped3A = arith.constant 0 : i32
    "tpu.region"() ({
      %run_scoped3A_86 = tpu.sem_alloc : memref<!tpu.dma_semaphore, #tpu.memory_space<semaphore_mem>>
      %dma_start3A_87 = arith.constant 0 : i32
      %dma_start3A_88 = tpu.memref_slice %arg4[%select_n3A, %run_scoped3A, %dma_start3A_87] : memref<4x4x8192xf32, #tpu.memory_space<hbm>> -> memref<1x1x8192xf32, #tpu.memory_space<hbm>>
      %dma_start3A_89 = tpu.memref_squeeze %dma_start3A_88 : memref<1x1x8192xf32, #tpu.memory_space<hbm>> -> memref<8192xf32, #tpu.memory_space<hbm>>
      %dma_start3A_90 = arith.constant 0 : i32
      %dma_start3A_91 = tpu.memref_slice %arg4[%select_n3A, %run_scoped3A, %dma_start3A_90] : memref<4x4x8192xf32, #tpu.memory_space<hbm>> -> memref<1x1x8192xf32, #tpu.memory_space<hbm>>
      %dma_start3A_92 = tpu.memref_squeeze %dma_start3A_91 : memref<1x1x8192xf32, #tpu.memory_space<hbm>> -> memref<8192xf32, #tpu.memory_space<hbm>>
      tpu.enqueue_dma source(%dma_start3A_92 : memref<8192xf32, #tpu.memory_space<hbm>>) target(%arg8 : memref<8192xf32, #tpu.memory_space<vmem>>) target_semaphore(%run_scoped3A_86 : memref<!tpu.dma_semaphore, #tpu.memory_space<semaphore_mem>>)
      %dma_wait3A_93 = arith.constant 0 : i32
      %dma_wait3A_94 = tpu.memref_slice %arg4[%select_n3A, %run_scoped3A, %dma_wait3A_93] : memref<4x4x8192xf32, #tpu.memory_space<hbm>> -> memref<1x1x8192xf32, #tpu.memory_space<hbm>>
      %dma_wait3A_95 = tpu.memref_squeeze %dma_wait3A_94 : memref<1x1x8192xf32, #tpu.memory_space<hbm>> -> memref<8192xf32, #tpu.memory_space<hbm>>
      %dma_wait3A_96 = arith.constant 0 : i32
      %dma_wait3A_97 = tpu.memref_slice %arg4[%select_n3A, %run_scoped3A, %dma_wait3A_96] : memref<4x4x8192xf32, #tpu.memory_space<hbm>> -> memref<1x1x8192xf32, #tpu.memory_space<hbm>>
      %dma_wait3A_98 = tpu.memref_squeeze %dma_wait3A_97 : memref<1x1x8192xf32, #tpu.memory_space<hbm>> -> memref<8192xf32, #tpu.memory_space<hbm>>
      tpu.wait_dma2 semaphore(%run_scoped3A_86 : memref<!tpu.dma_semaphore, #tpu.memory_space<semaphore_mem>>) src(%dma_wait3A_98 : memref<8192xf32, #tpu.memory_space<hbm>>) dst(%arg8 : memref<8192xf32, #tpu.memory_space<vmem>>)
      tpu.yield
    }) : () -> ()
    %run_scoped3A_37 = arith.constant 1 : i32
    "tpu.region"() ({
      %run_scoped3A_86 = tpu.sem_alloc : memref<!tpu.dma_semaphore, #tpu.memory_space<semaphore_mem>>
      %dma_start3A_87 = arith.constant 0 : i32
      %dma_start3A_88 = tpu.memref_slice %arg4[%select_n3A, %run_scoped3A_37, %dma_start3A_87] : memref<4x4x8192xf32, #tpu.memory_space<hbm>> -> memref<1x1x8192xf32, #tpu.memory_space<hbm>>
      %dma_start3A_89 = tpu.memref_squeeze %dma_start3A_88 : memref<1x1x8192xf32, #tpu.memory_space<hbm>> -> memref<8192xf32, #tpu.memory_space<hbm>>
      %dma_start3A_90 = arith.constant 0 : i32
      %dma_start3A_91 = tpu.memref_slice %arg4[%select_n3A, %run_scoped3A_37, %dma_start3A_90] : memref<4x4x8192xf32, #tpu.memory_space<hbm>> -> memref<1x1x8192xf32, #tpu.memory_space<hbm>>
      %dma_start3A_92 = tpu.memref_squeeze %dma_start3A_91 : memref<1x1x8192xf32, #tpu.memory_space<hbm>> -> memref<8192xf32, #tpu.memory_space<hbm>>
      tpu.enqueue_dma source(%dma_start3A_92 : memref<8192xf32, #tpu.memory_space<hbm>>) target(%arg9 : memref<8192xf32, #tpu.memory_space<vmem>>) target_semaphore(%run_scoped3A_86 : memref<!tpu.dma_semaphore, #tpu.memory_space<semaphore_mem>>)
      %dma_wait3A_93 = arith.constant 0 : i32
      %dma_wait3A_94 = tpu.memref_slice %arg4[%select_n3A, %run_scoped3A_37, %dma_wait3A_93] : memref<4x4x8192xf32, #tpu.memory_space<hbm>> -> memref<1x1x8192xf32, #tpu.memory_space<hbm>>
      %dma_wait3A_95 = tpu.memref_squeeze %dma_wait3A_94 : memref<1x1x8192xf32, #tpu.memory_space<hbm>> -> memref<8192xf32, #tpu.memory_space<hbm>>
      %dma_wait3A_96 = arith.constant 0 : i32
      %dma_wait3A_97 = tpu.memref_slice %arg4[%select_n3A, %run_scoped3A_37, %dma_wait3A_96] : memref<4x4x8192xf32, #tpu.memory_space<hbm>> -> memref<1x1x8192xf32, #tpu.memory_space<hbm>>
      %dma_wait3A_98 = tpu.memref_squeeze %dma_wait3A_97 : memref<1x1x8192xf32, #tpu.memory_space<hbm>> -> memref<8192xf32, #tpu.memory_space<hbm>>
      tpu.wait_dma2 semaphore(%run_scoped3A_86 : memref<!tpu.dma_semaphore, #tpu.memory_space<semaphore_mem>>) src(%dma_wait3A_98 : memref<8192xf32, #tpu.memory_space<hbm>>) dst(%arg9 : memref<8192xf32, #tpu.memory_space<vmem>>)
      tpu.yield
    }) : () -> ()
    %run_scoped3A_38 = arith.constant 2 : i32
    "tpu.region"() ({
      %run_scoped3A_86 = tpu.sem_alloc : memref<!tpu.dma_semaphore, #tpu.memory_space<semaphore_mem>>
      %dma_start3A_87 = arith.constant 0 : i32
      %dma_start3A_88 = tpu.memref_slice %arg4[%select_n3A, %run_scoped3A_38, %dma_start3A_87] : memref<4x4x8192xf32, #tpu.memory_space<hbm>> -> memref<1x1x8192xf32, #tpu.memory_space<hbm>>
      %dma_start3A_89 = tpu.memref_squeeze %dma_start3A_88 : memref<1x1x8192xf32, #tpu.memory_space<hbm>> -> memref<8192xf32, #tpu.memory_space<hbm>>
      %dma_start3A_90 = arith.constant 0 : i32
      %dma_start3A_91 = tpu.memref_slice %arg4[%select_n3A, %run_scoped3A_38, %dma_start3A_90] : memref<4x4x8192xf32, #tpu.memory_space<hbm>> -> memref<1x1x8192xf32, #tpu.memory_space<hbm>>
      %dma_start3A_92 = tpu.memref_squeeze %dma_start3A_91 : memref<1x1x8192xf32, #tpu.memory_space<hbm>> -> memref<8192xf32, #tpu.memory_space<hbm>>
      tpu.enqueue_dma source(%dma_start3A_92 : memref<8192xf32, #tpu.memory_space<hbm>>) target(%arg10 : memref<8192xf32, #tpu.memory_space<vmem>>) target_semaphore(%run_scoped3A_86 : memref<!tpu.dma_semaphore, #tpu.memory_space<semaphore_mem>>)
      %dma_wait3A_93 = arith.constant 0 : i32
      %dma_wait3A_94 = tpu.memref_slice %arg4[%select_n3A, %run_scoped3A_38, %dma_wait3A_93] : memref<4x4x8192xf32, #tpu.memory_space<hbm>> -> memref<1x1x8192xf32, #tpu.memory_space<hbm>>
      %dma_wait3A_95 = tpu.memref_squeeze %dma_wait3A_94 : memref<1x1x8192xf32, #tpu.memory_space<hbm>> -> memref<8192xf32, #tpu.memory_space<hbm>>
      %dma_wait3A_96 = arith.constant 0 : i32
      %dma_wait3A_97 = tpu.memref_slice %arg4[%select_n3A, %run_scoped3A_38, %dma_wait3A_96] : memref<4x4x8192xf32, #tpu.memory_space<hbm>> -> memref<1x1x8192xf32, #tpu.memory_space<hbm>>
      %dma_wait3A_98 = tpu.memref_squeeze %dma_wait3A_97 : memref<1x1x8192xf32, #tpu.memory_space<hbm>> -> memref<8192xf32, #tpu.memory_space<hbm>>
      tpu.wait_dma2 semaphore(%run_scoped3A_86 : memref<!tpu.dma_semaphore, #tpu.memory_space<semaphore_mem>>) src(%dma_wait3A_98 : memref<8192xf32, #tpu.memory_space<hbm>>) dst(%arg10 : memref<8192xf32, #tpu.memory_space<vmem>>)
      tpu.yield
    }) : () -> ()
    "tpu.region"() ({
      %run_scoped3A_86 = tpu.sem_alloc : memref<!tpu.dma_semaphore, #tpu.memory_space<semaphore_mem>>
      %dma_start3A_87 = arith.constant 0 : i32
      %dma_start3A_88 = tpu.memref_slice %arg3[%select_n3A, %dma_start3A_87, %select_n3A_32] : memref<4x4x2048xf32, #tpu.memory_space<hbm>> -> memref<1x4x256xf32, #tpu.memory_space<hbm>>
      %dma_start3A_89 = tpu.memref_squeeze %dma_start3A_88 : memref<1x4x256xf32, #tpu.memory_space<hbm>> -> memref<4x256xf32, #tpu.memory_space<hbm>>
      %dma_start3A_90 = arith.constant 0 : i32
      %dma_start3A_91 = tpu.memref_slice %arg3[%select_n3A, %dma_start3A_90, %select_n3A_32] : memref<4x4x2048xf32, #tpu.memory_space<hbm>> -> memref<1x4x256xf32, #tpu.memory_space<hbm>>
      %dma_start3A_92 = tpu.memref_squeeze %dma_start3A_91 : memref<1x4x256xf32, #tpu.memory_space<hbm>> -> memref<4x256xf32, #tpu.memory_space<hbm>>
      tpu.enqueue_dma source(%dma_start3A_92 : memref<4x256xf32, #tpu.memory_space<hbm>>) target(%arg11 : memref<4x256xf32, #tpu.memory_space<vmem>>) target_semaphore(%run_scoped3A_86 : memref<!tpu.dma_semaphore, #tpu.memory_space<semaphore_mem>>)
      %dma_wait3A_93 = arith.constant 0 : i32
      %dma_wait3A_94 = tpu.memref_slice %arg3[%select_n3A, %dma_wait3A_93, %select_n3A_32] : memref<4x4x2048xf32, #tpu.memory_space<hbm>> -> memref<1x4x256xf32, #tpu.memory_space<hbm>>
      %dma_wait3A_95 = tpu.memref_squeeze %dma_wait3A_94 : memref<1x4x256xf32, #tpu.memory_space<hbm>> -> memref<4x256xf32, #tpu.memory_space<hbm>>
      %dma_wait3A_96 = arith.constant 0 : i32
      %dma_wait3A_97 = tpu.memref_slice %arg3[%select_n3A, %dma_wait3A_96, %select_n3A_32] : memref<4x4x2048xf32, #tpu.memory_space<hbm>> -> memref<1x4x256xf32, #tpu.memory_space<hbm>>
      %dma_wait3A_98 = tpu.memref_squeeze %dma_wait3A_97 : memref<1x4x256xf32, #tpu.memory_space<hbm>> -> memref<4x256xf32, #tpu.memory_space<hbm>>
      tpu.wait_dma2 semaphore(%run_scoped3A_86 : memref<!tpu.dma_semaphore, #tpu.memory_space<semaphore_mem>>) src(%dma_wait3A_98 : memref<4x256xf32, #tpu.memory_space<hbm>>) dst(%arg11 : memref<4x256xf32, #tpu.memory_space<vmem>>)
      tpu.yield
    }) : () -> ()
    %scan3A = arith.constant 0 : i32
    %scan3A_39 = arith.constant 0 : i32
    %scan3A_40 = arith.constant 64 : i32
    %scan3A_41 = arith.addi %scan3A_39, %scan3A_40 : i32
    %scan3A_42 = arith.constant 1 : i32
    %scan3A_43 = scf.for %scan3A_86 = %scan3A_39 to %scan3A_41 step %scan3A_42 iter_args(%scan3A_87 = %scan3A) -> (i32)  : i32 {
      %mul3A_88 = arith.constant 16 : i32
      %mul3A_89 = arith.muli %scan3A_86, %mul3A_88 : i32
      %multiple_of3A = tpu.assume_multiple %mul3A_89, 16 : i32
      %broadcast_in_dim3A_90 = arith.constant 0.000000e+00 : f32
      %broadcast_in_dim3A_91 = vector.broadcast %broadcast_in_dim3A_90 : f32 to vector<16xf32>
      %swap3A = arith.index_cast %multiple_of3A : i32 to index
      %swap3A_92 = tpu.vector_load %arg20[%swap3A] {strides = array<i32>} : memref<1024xf32, #tpu.memory_space<vmem>>, vector<16xf32>,
      tpu.vector_store %arg20[%swap3A], %broadcast_in_dim3A_91 {strides = array<i32>} : memref<1024xf32, #tpu.memory_space<vmem>>, vector<16xf32>,
      %broadcast_in_dim3A_93 = arith.constant 0.000000e+00 : f32
      %broadcast_in_dim3A_94 = vector.broadcast %broadcast_in_dim3A_93 : f32 to vector<16xf32>
      %swap3A_95 = arith.index_cast %multiple_of3A : i32 to index
      %swap3A_96 = tpu.vector_load %arg21[%swap3A_95] {strides = array<i32>} : memref<1024xf32, #tpu.memory_space<vmem>>, vector<16xf32>,
      tpu.vector_store %arg21[%swap3A_95], %broadcast_in_dim3A_94 {strides = array<i32>} : memref<1024xf32, #tpu.memory_space<vmem>>, vector<16xf32>,
      %scan3A_97 = arith.constant 0 : i32
      scf.yield %scan3A_97 : i32
    }
    %scan3A_44 = arith.constant 64 : i32
    %dma_start3A = arith.constant 0 : i32
    %dma_start3A_45 = arith.constant 0 : i32
    %dma_start3A_46 = tpu.memref_slice %arg12[%dma_start3A, %dma_start3A_45] : memref<16x512xf32, #tpu.memory_space<vmem>> -> memref<8x512xf32, #tpu.memory_space<vmem>>
    %dma_start3A_47 = arith.constant 0 : i32
    %dma_start3A_48 = tpu.memref_slice %arg2[%mul3A_2, %dma_start3A_47] : memref<8192x512xf32, #tpu.memory_space<hbm>> -> memref<8x512xf32, #tpu.memory_space<hbm>>
    %dma_start3A_49 = arith.constant 0 : i32
    %dma_start3A_50 = arith.constant 0 : i32
    %dma_start3A_51 = tpu.memref_slice %arg12[%dma_start3A_49, %dma_start3A_50] : memref<16x512xf32, #tpu.memory_space<vmem>> -> memref<8x512xf32, #tpu.memory_space<vmem>>
    %dma_start3A_52 = arith.constant 0 : i32
    %dma_start3A_53 = tpu.memref_slice %arg2[%mul3A_2, %dma_start3A_52] : memref<8192x512xf32, #tpu.memory_space<hbm>> -> memref<8x512xf32, #tpu.memory_space<hbm>>
    tpu.enqueue_dma source(%dma_start3A_53 : memref<8x512xf32, #tpu.memory_space<hbm>>) target(%dma_start3A_51 : memref<8x512xf32, #tpu.memory_space<vmem>>) target_semaphore(%arg22 : memref<!tpu.dma_semaphore, #tpu.memory_space<semaphore_mem>>)
    %scan3A_54 = arith.constant 0x7F800000 : f32
    %scan3A_55 = arith.constant 0 : i32
    %scan3A_56 = arith.constant 0 : i32
    %scan3A_57 = arith.constant 32 : i32
    %scan3A_58 = arith.addi %scan3A_56, %scan3A_57 : i32
    %scan3A_59 = arith.constant 1 : i32
    %scan3A_60 = scf.for %scan3A_86 = %scan3A_56 to %scan3A_58 step %scan3A_59 iter_args(%scan3A_87 = %scan3A_55) -> (i32)  : i32 {
      %jit3A_88 = arith.constant 2 : i32
      %eq3A_89 = arith.constant 0 : i32
      %eq3A_90 = arith.cmpi eq, %jit3A_88, %eq3A_89 : i32
      %jit3A_91 = arith.constant 1 : i32
      %select_n3A_92 = arith.select %eq3A_90, %jit3A_91, %jit3A_88 : i32
      %rem3A_93 = arith.remsi %scan3A_86, %select_n3A_92 : i32
      %ne3A_94 = arith.constant 0 : i32
      %ne3A_95 = arith.cmpi ne, %rem3A_93, %ne3A_94 : i32
      %lt3A_96 = arith.constant 0 : i32
      %lt3A_97 = arith.cmpi slt, %rem3A_93, %lt3A_96 : i32
      %lt3A_98 = arith.constant 0 : i32
      %lt3A_99 = arith.cmpi slt, %select_n3A_92, %lt3A_98 : i32
      %ne3A_100 = arith.xori %lt3A_97, %lt3A_99 : i1
      %and3A_101 = arith.andi %ne3A_100, %ne3A_95 : i1
      %add3A_102 = arith.addi %rem3A_93, %select_n3A_92 : i32
      %select_n3A_103 = arith.select %and3A_101, %add3A_102, %rem3A_93 : i32
      %mul3A_104 = arith.constant 8 : i32
      %mul3A_105 = arith.muli %scan3A_86, %mul3A_104 : i32
      %add3A_106 = arith.addi %mul3A_2, %mul3A_105 : i32
      %eq3A_107 = arith.constant 0 : i32
      %eq3A_108 = arith.cmpi eq, %select_n3A_103, %eq3A_107 : i32
      %convert_element_type3A = arith.extui %eq3A_108 : i1 to i32
      %cond3A = arith.constant 0 : i32
      %cond3A_109 = arith.cmpi ne, %convert_element_type3A, %cond3A : i32
      scf.if %cond3A_109 {
        %dma_wait3A_149 = arith.constant 0 : i32
        %dma_wait3A_150 = arith.constant 0 : i32
        %dma_wait3A_151 = tpu.memref_slice %arg12[%dma_wait3A_149, %dma_wait3A_150] : memref<16x512xf32, #tpu.memory_space<vmem>> -> memref<8x512xf32, #tpu.memory_space<vmem>>
        %dma_wait3A_152 = arith.constant 0 : i32
        %dma_wait3A_153 = tpu.memref_slice %arg2[%add3A_106, %dma_wait3A_152] : memref<8192x512xf32, #tpu.memory_space<hbm>> -> memref<8x512xf32, #tpu.memory_space<hbm>>
        %dma_wait3A_154 = arith.constant 0 : i32
        %dma_wait3A_155 = arith.constant 0 : i32
        %dma_wait3A_156 = tpu.memref_slice %arg12[%dma_wait3A_154, %dma_wait3A_155] : memref<16x512xf32, #tpu.memory_space<vmem>> -> memref<8x512xf32, #tpu.memory_space<vmem>>
        %dma_wait3A_157 = arith.constant 0 : i32
        %dma_wait3A_158 = tpu.memref_slice %arg2[%add3A_106, %dma_wait3A_157] : memref<8192x512xf32, #tpu.memory_space<hbm>> -> memref<8x512xf32, #tpu.memory_space<hbm>>
        tpu.wait_dma2 semaphore(%arg22 : memref<!tpu.dma_semaphore, #tpu.memory_space<semaphore_mem>>) src(%dma_wait3A_158 : memref<8x512xf32, #tpu.memory_space<hbm>>) dst(%dma_wait3A_156 : memref<8x512xf32, #tpu.memory_space<vmem>>)
      } else {
      }
      %eq3A_110 = arith.constant 1 : i32
      %eq3A_111 = arith.cmpi eq, %select_n3A_103, %eq3A_110 : i32
      %convert_element_type3A_112 = arith.extui %eq3A_111 : i1 to i32
      %cond3A_113 = arith.constant 0 : i32
      %cond3A_114 = arith.cmpi ne, %convert_element_type3A_112, %cond3A_113 : i32
      scf.if %cond3A_114 {
        %dma_wait3A_149 = arith.constant 8 : i32
        %dma_wait3A_150 = arith.constant 0 : i32
        %dma_wait3A_151 = tpu.memref_slice %arg12[%dma_wait3A_149, %dma_wait3A_150] : memref<16x512xf32, #tpu.memory_space<vmem>> -> memref<8x512xf32, #tpu.memory_space<vmem>>
        %dma_wait3A_152 = arith.constant 0 : i32
        %dma_wait3A_153 = tpu.memref_slice %arg2[%add3A_106, %dma_wait3A_152] : memref<8192x512xf32, #tpu.memory_space<hbm>> -> memref<8x512xf32, #tpu.memory_space<hbm>>
        %dma_wait3A_154 = arith.constant 8 : i32
        %dma_wait3A_155 = arith.constant 0 : i32
        %dma_wait3A_156 = tpu.memref_slice %arg12[%dma_wait3A_154, %dma_wait3A_155] : memref<16x512xf32, #tpu.memory_space<vmem>> -> memref<8x512xf32, #tpu.memory_space<vmem>>
        %dma_wait3A_157 = arith.constant 0 : i32
        %dma_wait3A_158 = tpu.memref_slice %arg2[%add3A_106, %dma_wait3A_157] : memref<8192x512xf32, #tpu.memory_space<hbm>> -> memref<8x512xf32, #tpu.memory_space<hbm>>
        tpu.wait_dma2 semaphore(%arg23 : memref<!tpu.dma_semaphore, #tpu.memory_space<semaphore_mem>>) src(%dma_wait3A_158 : memref<8x512xf32, #tpu.memory_space<hbm>>) dst(%dma_wait3A_156 : memref<8x512xf32, #tpu.memory_space<vmem>>)
      } else {
      }
      %add3A_115 = arith.constant 1 : i32
      %add3A_116 = arith.addi %scan3A_86, %add3A_115 : i32
      %lt3A_117 = arith.constant 32 : i32
      %lt3A_118 = arith.cmpi slt, %add3A_116, %lt3A_117 : i32
      %convert_element_type3A_119 = arith.extui %lt3A_118 : i1 to i32
      %cond3A_120 = arith.constant 0 : i32
      %cond3A_121 = arith.cmpi ne, %convert_element_type3A_119, %cond3A_120 : i32
      scf.if %cond3A_121 {
        %add3A_149 = arith.constant 8 : i32
        %add3A_150 = arith.addi %add3A_106, %add3A_149 : i32
        %sub3A_151 = arith.constant 1 : i32
        %sub3A_152 = arith.subi %sub3A_151, %select_n3A_103 : i32
        %eq3A_153 = arith.constant 0 : i32
        %eq3A_154 = arith.cmpi eq, %sub3A_152, %eq3A_153 : i32
        %convert_element_type3A_155 = arith.extui %eq3A_154 : i1 to i32
        %cond3A_156 = arith.constant 0 : i32
        %cond3A_157 = arith.cmpi ne, %convert_element_type3A_155, %cond3A_156 : i32
        scf.if %cond3A_157 {
          %dma_start3A_163 = arith.constant 0 : i32
          %dma_start3A_164 = arith.constant 0 : i32
          %dma_start3A_165 = tpu.memref_slice %arg12[%dma_start3A_163, %dma_start3A_164] : memref<16x512xf32, #tpu.memory_space<vmem>> -> memref<8x512xf32, #tpu.memory_space<vmem>>
          %dma_start3A_166 = arith.constant 0 : i32
          %dma_start3A_167 = tpu.memref_slice %arg2[%add3A_150, %dma_start3A_166] : memref<8192x512xf32, #tpu.memory_space<hbm>> -> memref<8x512xf32, #tpu.memory_space<hbm>>
          %dma_start3A_168 = arith.constant 0 : i32
          %dma_start3A_169 = arith.constant 0 : i32
          %dma_start3A_170 = tpu.memref_slice %arg12[%dma_start3A_168, %dma_start3A_169] : memref<16x512xf32, #tpu.memory_space<vmem>> -> memref<8x512xf32, #tpu.memory_space<vmem>>
          %dma_start3A_171 = arith.constant 0 : i32
          %dma_start3A_172 = tpu.memref_slice %arg2[%add3A_150, %dma_start3A_171] : memref<8192x512xf32, #tpu.memory_space<hbm>> -> memref<8x512xf32, #tpu.memory_space<hbm>>
          tpu.enqueue_dma source(%dma_start3A_172 : memref<8x512xf32, #tpu.memory_space<hbm>>) target(%dma_start3A_170 : memref<8x512xf32, #tpu.memory_space<vmem>>) target_semaphore(%arg22 : memref<!tpu.dma_semaphore, #tpu.memory_space<semaphore_mem>>)
        } else {
        }
        %eq3A_158 = arith.constant 1 : i32
        %eq3A_159 = arith.cmpi eq, %sub3A_152, %eq3A_158 : i32
        %convert_element_type3A_160 = arith.extui %eq3A_159 : i1 to i32
        %cond3A_161 = arith.constant 0 : i32
        %cond3A_162 = arith.cmpi ne, %convert_element_type3A_160, %cond3A_161 : i32
        scf.if %cond3A_162 {
          %dma_start3A_163 = arith.constant 8 : i32
          %dma_start3A_164 = arith.constant 0 : i32
          %dma_start3A_165 = tpu.memref_slice %arg12[%dma_start3A_163, %dma_start3A_164] : memref<16x512xf32, #tpu.memory_space<vmem>> -> memref<8x512xf32, #tpu.memory_space<vmem>>
          %dma_start3A_166 = arith.constant 0 : i32
          %dma_start3A_167 = tpu.memref_slice %arg2[%add3A_150, %dma_start3A_166] : memref<8192x512xf32, #tpu.memory_space<hbm>> -> memref<8x512xf32, #tpu.memory_space<hbm>>
          %dma_start3A_168 = arith.constant 8 : i32
          %dma_start3A_169 = arith.constant 0 : i32
          %dma_start3A_170 = tpu.memref_slice %arg12[%dma_start3A_168, %dma_start3A_169] : memref<16x512xf32, #tpu.memory_space<vmem>> -> memref<8x512xf32, #tpu.memory_space<vmem>>
          %dma_start3A_171 = arith.constant 0 : i32
          %dma_start3A_172 = tpu.memref_slice %arg2[%add3A_150, %dma_start3A_171] : memref<8192x512xf32, #tpu.memory_space<hbm>> -> memref<8x512xf32, #tpu.memory_space<hbm>>
          tpu.enqueue_dma source(%dma_start3A_172 : memref<8x512xf32, #tpu.memory_space<hbm>>) target(%dma_start3A_170 : memref<8x512xf32, #tpu.memory_space<vmem>>) target_semaphore(%arg23 : memref<!tpu.dma_semaphore, #tpu.memory_space<semaphore_mem>>)
        } else {
        }
      } else {
      }
      %ge3A = arith.constant 2 : i32
      %ge3A_122 = arith.cmpi sge, %scan3A_86, %ge3A : i32
      %convert_element_type3A_123 = arith.extui %ge3A_122 : i1 to i32
      %cond3A_124 = arith.constant 0 : i32
      %cond3A_125 = arith.cmpi ne, %convert_element_type3A_123, %cond3A_124 : i32
      scf.if %cond3A_125 {
        %eq3A_149 = arith.constant 0 : i32
        %eq3A_150 = arith.cmpi eq, %select_n3A_103, %eq3A_149 : i32
        %convert_element_type3A_151 = arith.extui %eq3A_150 : i1 to i32
        %cond3A_152 = arith.constant 0 : i32
        %cond3A_153 = arith.cmpi ne, %convert_element_type3A_151, %cond3A_152 : i32
        scf.if %cond3A_153 {
          %sub3A_159 = arith.constant 16 : i32
          %sub3A_160 = arith.subi %add3A_106, %sub3A_159 : i32
          %mul3A_161 = arith.constant 16 : i32
          %mul3A_162 = arith.muli %sub3A_160, %mul3A_161 : i32
          %dma_wait3A_163 = arith.constant 0 : i32
          %dma_wait3A_164 = tpu.memref_slice %arg6[%mul3A_162, %dma_wait3A_163] : memref<131072x128xf32, #tpu.memory_space<hbm>> -> memref<128x128xf32, #tpu.memory_space<hbm>>
          %dma_wait3A_165 = arith.constant 0 : i32
          %dma_wait3A_166 = tpu.memref_slice %arg6[%mul3A_162, %dma_wait3A_165] : memref<131072x128xf32, #tpu.memory_space<hbm>> -> memref<128x128xf32, #tpu.memory_space<hbm>>
          tpu.wait_dma2 semaphore(%arg26 : memref<!tpu.dma_semaphore, #tpu.memory_space<semaphore_mem>>) src(%arg18 : memref<128x128xf32, #tpu.memory_space<vmem>>) dst(%dma_wait3A_166 : memref<128x128xf32, #tpu.memory_space<hbm>>)
          %sub3A_167 = arith.constant 16 : i32
          %sub3A_168 = arith.subi %add3A_106, %sub3A_167 : i32
          %mul3A_169 = arith.constant 128 : i32
          %mul3A_170 = arith.muli %sub3A_168, %mul3A_169 : i32
          %dma_wait3A_171 = tpu.memref_slice %arg7[%mul3A_170] : memref<1048576xf32, #tpu.memory_space<hbm>> -> memref<1024xf32, #tpu.memory_space<hbm>>
          %dma_wait3A_172 = tpu.memref_slice %arg7[%mul3A_170] : memref<1048576xf32, #tpu.memory_space<hbm>> -> memref<1024xf32, #tpu.memory_space<hbm>>
          tpu.wait_dma2 semaphore(%arg28 : memref<!tpu.dma_semaphore, #tpu.memory_space<semaphore_mem>>) src(%arg20 : memref<1024xf32, #tpu.memory_space<vmem>>) dst(%dma_wait3A_172 : memref<1024xf32, #tpu.memory_space<hbm>>)
        } else {
        }
        %eq3A_154 = arith.constant 1 : i32
        %eq3A_155 = arith.cmpi eq, %select_n3A_103, %eq3A_154 : i32
        %convert_element_type3A_156 = arith.extui %eq3A_155 : i1 to i32
        %cond3A_157 = arith.constant 0 : i32
        %cond3A_158 = arith.cmpi ne, %convert_element_type3A_156, %cond3A_157 : i32
        scf.if %cond3A_158 {
          %sub3A_159 = arith.constant 16 : i32
          %sub3A_160 = arith.subi %add3A_106, %sub3A_159 : i32
          %mul3A_161 = arith.constant 16 : i32
          %mul3A_162 = arith.muli %sub3A_160, %mul3A_161 : i32
          %dma_wait3A_163 = arith.constant 0 : i32
          %dma_wait3A_164 = tpu.memref_slice %arg6[%mul3A_162, %dma_wait3A_163] : memref<131072x128xf32, #tpu.memory_space<hbm>> -> memref<128x128xf32, #tpu.memory_space<hbm>>
          %dma_wait3A_165 = arith.constant 0 : i32
          %dma_wait3A_166 = tpu.memref_slice %arg6[%mul3A_162, %dma_wait3A_165] : memref<131072x128xf32, #tpu.memory_space<hbm>> -> memref<128x128xf32, #tpu.memory_space<hbm>>
          tpu.wait_dma2 semaphore(%arg27 : memref<!tpu.dma_semaphore, #tpu.memory_space<semaphore_mem>>) src(%arg19 : memref<128x128xf32, #tpu.memory_space<vmem>>) dst(%dma_wait3A_166 : memref<128x128xf32, #tpu.memory_space<hbm>>)
          %sub3A_167 = arith.constant 16 : i32
          %sub3A_168 = arith.subi %add3A_106, %sub3A_167 : i32
          %mul3A_169 = arith.constant 128 : i32
          %mul3A_170 = arith.muli %sub3A_168, %mul3A_169 : i32
          %dma_wait3A_171 = tpu.memref_slice %arg7[%mul3A_170] : memref<1048576xf32, #tpu.memory_space<hbm>> -> memref<1024xf32, #tpu.memory_space<hbm>>
          %dma_wait3A_172 = tpu.memref_slice %arg7[%mul3A_170] : memref<1048576xf32, #tpu.memory_space<hbm>> -> memref<1024xf32, #tpu.memory_space<hbm>>
          tpu.wait_dma2 semaphore(%arg29 : memref<!tpu.dma_semaphore, #tpu.memory_space<semaphore_mem>>) src(%arg21 : memref<1024xf32, #tpu.memory_space<vmem>>) dst(%dma_wait3A_172 : memref<1024xf32, #tpu.memory_space<hbm>>)
        } else {
        }
      } else {
      }
      %scan3A_126 = arith.constant 0 : i32
      %scan3A_127 = arith.constant 0 : i32
      %scan3A_128 = arith.constant 8 : i32
      %scan3A_129 = arith.addi %scan3A_127, %scan3A_128 : i32
      %scan3A_130 = arith.constant 1 : i32
      %scan3A_131 = scf.for %scan3A_149 = %scan3A_127 to %scan3A_129 step %scan3A_130 iter_args(%scan3A_150 = %scan3A_126) -> (i32)  : i32 {
        %mul3A_151 = arith.constant 8 : i32
        %mul3A_152 = arith.muli %scan3A_86, %mul3A_151 : i32
        %add3A_153 = arith.addi %mul3A_152, %scan3A_149 : i32
        %mul3A_154 = arith.constant 8 : i32
        %mul3A_155 = arith.muli %select_n3A_103, %mul3A_154 : i32
        %add3A_156 = arith.addi %mul3A_155, %scan3A_149 : i32
        %broadcast_in_dim3A_157 = vector.broadcast %add3A_153 : i32 to vector<16xi32>
        %gather3A = tpu.vector_load_idx %arg11[%broadcast_in_dim3A_33, %broadcast_in_dim3A_157] : memref<4x256xf32, #tpu.memory_space<vmem>>[vector<16xi32>, vector<16xi32>], vector<16xf32>,
        %add3A_158 = arith.constant 1 : i32
        %add3A_159 = vector.broadcast %add3A_158 : i32 to vector<16xi32>
        %add3A_160 = arith.addi %broadcast_in_dim3A_33, %add3A_159 : vector<16xi32>
        %gather3A_161 = tpu.vector_load_idx %arg11[%add3A_160, %broadcast_in_dim3A_157] : memref<4x256xf32, #tpu.memory_space<vmem>>[vector<16xi32>, vector<16xi32>], vector<16xf32>,
        %add3A_162 = arith.constant 2 : i32
        %add3A_163 = vector.broadcast %add3A_162 : i32 to vector<16xi32>
        %add3A_164 = arith.addi %broadcast_in_dim3A_33, %add3A_163 : vector<16xi32>
        %gather3A_165 = tpu.vector_load_idx %arg11[%add3A_164, %broadcast_in_dim3A_157] : memref<4x256xf32, #tpu.memory_space<vmem>>[vector<16xi32>, vector<16xi32>], vector<16xf32>,
        %broadcast_in_dim3A_166 = vector.broadcast %scan3A_54 : f32 to vector<16xf32>
        %scan3A_167 = arith.constant 0 : i32
        %scan3A_168 = arith.constant 32 : i32
        %scan3A_169 = arith.addi %scan3A_167, %scan3A_168 : i32
        %scan3A_170 = arith.constant 4 : i32
        %scan3A_171 = scf.for %scan3A_248 = %scan3A_167 to %scan3A_169 step %scan3A_170 iter_args(%scan3A_249 = %broadcast_in_dim3A_166) -> (vector<16xf32>)  : i32 {
          %mul3A_250 = arith.constant 16 : i32
          %mul3A_251 = arith.muli %scan3A_248, %mul3A_250 : i32
          %multiple_of3A_252 = tpu.assume_multiple %mul3A_251, 16 : i32
          %get3A = arith.index_cast %add3A_156 : i32 to index
          %get3A_253 = arith.index_cast %multiple_of3A_252 : i32 to index
          %get3A_254 = tpu.vector_load %arg12[%get3A, %get3A_253] {strides = array<i32>} : memref<16x512xf32, #tpu.memory_space<vmem>>, vector<16xf32>,
          %min3A = arith.minimumf %scan3A_249, %get3A_254 : vector<16xf32>
          %scan3A_255 = arith.constant 1 : i32
          %scan3A_256 = arith.addi %scan3A_248, %scan3A_255 : i32
          %mul3A_257 = arith.constant 16 : i32
          %mul3A_258 = arith.muli %scan3A_256, %mul3A_257 : i32
          %multiple_of3A_259 = tpu.assume_multiple %mul3A_258, 16 : i32
          %get3A_260 = arith.index_cast %add3A_156 : i32 to index
          %get3A_261 = arith.index_cast %multiple_of3A_259 : i32 to index
          %get3A_262 = tpu.vector_load %arg12[%get3A_260, %get3A_261] {strides = array<i32>} : memref<16x512xf32, #tpu.memory_space<vmem>>, vector<16xf32>,
          %min3A_263 = arith.minimumf %min3A, %get3A_262 : vector<16xf32>
          %scan3A_264 = arith.constant 2 : i32
          %scan3A_265 = arith.addi %scan3A_248, %scan3A_264 : i32
          %mul3A_266 = arith.constant 16 : i32
          %mul3A_267 = arith.muli %scan3A_265, %mul3A_266 : i32
          %multiple_of3A_268 = tpu.assume_multiple %mul3A_267, 16 : i32
          %get3A_269 = arith.index_cast %add3A_156 : i32 to index
          %get3A_270 = arith.index_cast %multiple_of3A_268 : i32 to index
          %get3A_271 = tpu.vector_load %arg12[%get3A_269, %get3A_270] {strides = array<i32>} : memref<16x512xf32, #tpu.memory_space<vmem>>, vector<16xf32>,
          %min3A_272 = arith.minimumf %min3A_263, %get3A_271 : vector<16xf32>
          %scan3A_273 = arith.constant 3 : i32
          %scan3A_274 = arith.addi %scan3A_248, %scan3A_273 : i32
          %mul3A_275 = arith.constant 16 : i32
          %mul3A_276 = arith.muli %scan3A_274, %mul3A_275 : i32
          %multiple_of3A_277 = tpu.assume_multiple %mul3A_276, 16 : i32
          %get3A_278 = arith.index_cast %add3A_156 : i32 to index
          %get3A_279 = arith.index_cast %multiple_of3A_277 : i32 to index
          %get3A_280 = tpu.vector_load %arg12[%get3A_278, %get3A_279] {strides = array<i32>} : memref<16x512xf32, #tpu.memory_space<vmem>>, vector<16xf32>,
          %min3A_281 = arith.minimumf %min3A_272, %get3A_280 : vector<16xf32>
          scf.yield %min3A_281 : vector<16xf32>
        }
        %scan3A_172 = arith.constant 32 : i32
        %reduce_max3A = arith.constant true
        %reduce_max3A_173 = vector.broadcast %reduce_max3A : i1 to vector<16xi1>
        %reduce_max3A_174 = tpu.scan <max>, %scan3A_171 masked %reduce_max3A_173 : vector<16xf32>, vector<16xi1> -> vector<16xf32>
        %reduce_max3A_175 = vector.extract %reduce_max3A_174[15] : f32 from vector<16xf32>
        %add3A_176 = arith.constant 2.000000e-03 : f32
        %add3A_177 = arith.addf %reduce_max3A_175, %add3A_176 : f32
        %mul3A_178 = arith.mulf %gather3A, %gather3A : vector<16xf32>
        %mul3A_179 = arith.mulf %gather3A_161, %gather3A_161 : vector<16xf32>
        %add3A_180 = arith.addf %mul3A_178, %mul3A_179 : vector<16xf32>
        %mul3A_181 = arith.mulf %gather3A_165, %gather3A_165 : vector<16xf32>
        %add3A_182 = arith.addf %add3A_180, %mul3A_181 : vector<16xf32>
        %add3A_183 = vector.broadcast %add3A_177 : f32 to vector<16xf32>
        %add3A_184 = arith.addf %add3A_183, %add3A_182 : vector<16xf32>
        %scan3A_185 = arith.constant 0 : i32
        %scan3A_186 = arith.constant 0 : i32
        %scan3A_187 = arith.constant 32 : i32
        %scan3A_188 = arith.addi %scan3A_186, %scan3A_187 : i32
        %scan3A_189 = arith.constant 4 : i32
        %scan3A_190 = scf.for %scan3A_248 = %scan3A_186 to %scan3A_188 step %scan3A_189 iter_args(%scan3A_249 = %scan3A_185) -> (i32)  : i32 {
          %mul3A_250 = arith.constant 16 : i32
          %mul3A_251 = arith.muli %scan3A_248, %mul3A_250 : i32
          %multiple_of3A_252 = tpu.assume_multiple %mul3A_251, 16 : i32
          %get3A = arith.index_cast %add3A_156 : i32 to index
          %get3A_253 = arith.index_cast %multiple_of3A_252 : i32 to index
          %get3A_254 = tpu.vector_load %arg12[%get3A, %get3A_253] {strides = array<i32>} : memref<16x512xf32, #tpu.memory_space<vmem>>, vector<16xf32>,
          %le3A = vector.broadcast %add3A_177 : f32 to vector<16xf32>
          %le3A_255 = arith.cmpf ole, %get3A_254, %le3A : vector<16xf32>
          %convert_element_type3A_256 = arith.extui %le3A_255 : vector<16xi1> to vector<16xi32>
          %broadcast_in_dim3A_257 = arith.constant true
          %broadcast_in_dim3A_258 = vector.broadcast %broadcast_in_dim3A_257 : i1 to vector<16xi1>
          %masked_cumsum3A = tpu.scan <sum>, %convert_element_type3A_256 masked %broadcast_in_dim3A_258 : vector<16xi32>, vector<16xi1> -> vector<16xi32>
          %add3A_259 = vector.broadcast %scan3A_249 : i32 to vector<16xi32>
          %add3A_260 = arith.addi %add3A_259, %masked_cumsum3A : vector<16xi32>
          %sub3A_261 = arith.constant 1 : i32
          %sub3A_262 = vector.broadcast %sub3A_261 : i32 to vector<16xi32>
          %sub3A_263 = arith.subi %add3A_260, %sub3A_262 : vector<16xi32>
          %mul3A_264 = arith.constant 16 : i32
          %mul3A_265 = arith.muli %scan3A_248, %mul3A_264 : i32
          %add3A_266 = vector.broadcast %mul3A_265 : i32 to vector<16xi32>
          %add3A_267 = arith.addi %iota3A, %add3A_266 : vector<16xi32>
          tpu.vector_store_idx %arg13[%sub3A_263], %add3A_267 masked %le3A_255 : memref<528xi32, #tpu.memory_space<vmem>>[vector<16xi32>], vector<16xi32>, vector<16xi1>
          %slice3A = vector.extract_strided_slice %sub3A_263 {offsets = [15], sizes = [1], strides = [1]} : vector<16xi32> to vector<1xi32>
          %squeeze3A = vector.extract %slice3A[0] : i32 from vector<1xi32>
          %add3A_268 = arith.constant 1 : i32
          %add3A_269 = arith.addi %squeeze3A, %add3A_268 : i32
          %scan3A_270 = arith.constant 1 : i32
          %scan3A_271 = arith.addi %scan3A_248, %scan3A_270 : i32
          %mul3A_272 = arith.constant 16 : i32
          %mul3A_273 = arith.muli %scan3A_271, %mul3A_272 : i32
          %multiple_of3A_274 = tpu.assume_multiple %mul3A_273, 16 : i32
          %get3A_275 = arith.index_cast %add3A_156 : i32 to index
          %get3A_276 = arith.index_cast %multiple_of3A_274 : i32 to index
          %get3A_277 = tpu.vector_load %arg12[%get3A_275, %get3A_276] {strides = array<i32>} : memref<16x512xf32, #tpu.memory_space<vmem>>, vector<16xf32>,
          %le3A_278 = vector.broadcast %add3A_177 : f32 to vector<16xf32>
          %le3A_279 = arith.cmpf ole, %get3A_277, %le3A_278 : vector<16xf32>
          %convert_element_type3A_280 = arith.extui %le3A_279 : vector<16xi1> to vector<16xi32>
          %broadcast_in_dim3A_281 = arith.constant true
          %broadcast_in_dim3A_282 = vector.broadcast %broadcast_in_dim3A_281 : i1 to vector<16xi1>
          %masked_cumsum3A_283 = tpu.scan <sum>, %convert_element_type3A_280 masked %broadcast_in_dim3A_282 : vector<16xi32>, vector<16xi1> -> vector<16xi32>
          %add3A_284 = vector.broadcast %add3A_269 : i32 to vector<16xi32>
          %add3A_285 = arith.addi %add3A_284, %masked_cumsum3A_283 : vector<16xi32>
          %sub3A_286 = arith.constant 1 : i32
          %sub3A_287 = vector.broadcast %sub3A_286 : i32 to vector<16xi32>
          %sub3A_288 = arith.subi %add3A_285, %sub3A_287 : vector<16xi32>
          %mul3A_289 = arith.constant 16 : i32
          %mul3A_290 = arith.muli %scan3A_271, %mul3A_289 : i32
          %add3A_291 = vector.broadcast %mul3A_290 : i32 to vector<16xi32>
          %add3A_292 = arith.addi %iota3A, %add3A_291 : vector<16xi32>
          tpu.vector_store_idx %arg13[%sub3A_288], %add3A_292 masked %le3A_279 : memref<528xi32, #tpu.memory_space<vmem>>[vector<16xi32>], vector<16xi32>, vector<16xi1>
          %slice3A_293 = vector.extract_strided_slice %sub3A_288 {offsets = [15], sizes = [1], strides = [1]} : vector<16xi32> to vector<1xi32>
          %squeeze3A_294 = vector.extract %slice3A_293[0] : i32 from vector<1xi32>
          %add3A_295 = arith.constant 1 : i32
          %add3A_296 = arith.addi %squeeze3A_294, %add3A_295 : i32
          %scan3A_297 = arith.constant 2 : i32
          %scan3A_298 = arith.addi %scan3A_248, %scan3A_297 : i32
          %mul3A_299 = arith.constant 16 : i32
          %mul3A_300 = arith.muli %scan3A_298, %mul3A_299 : i32
          %multiple_of3A_301 = tpu.assume_multiple %mul3A_300, 16 : i32
          %get3A_302 = arith.index_cast %add3A_156 : i32 to index
          %get3A_303 = arith.index_cast %multiple_of3A_301 : i32 to index
          %get3A_304 = tpu.vector_load %arg12[%get3A_302, %get3A_303] {strides = array<i32>} : memref<16x512xf32, #tpu.memory_space<vmem>>, vector<16xf32>,
          %le3A_305 = vector.broadcast %add3A_177 : f32 to vector<16xf32>
          %le3A_306 = arith.cmpf ole, %get3A_304, %le3A_305 : vector<16xf32>
          %convert_element_type3A_307 = arith.extui %le3A_306 : vector<16xi1> to vector<16xi32>
          %broadcast_in_dim3A_308 = arith.constant true
          %broadcast_in_dim3A_309 = vector.broadcast %broadcast_in_dim3A_308 : i1 to vector<16xi1>
          %masked_cumsum3A_310 = tpu.scan <sum>, %convert_element_type3A_307 masked %broadcast_in_dim3A_309 : vector<16xi32>, vector<16xi1> -> vector<16xi32>
          %add3A_311 = vector.broadcast %add3A_296 : i32 to vector<16xi32>
          %add3A_312 = arith.addi %add3A_311, %masked_cumsum3A_310 : vector<16xi32>
          %sub3A_313 = arith.constant 1 : i32
          %sub3A_314 = vector.broadcast %sub3A_313 : i32 to vector<16xi32>
          %sub3A_315 = arith.subi %add3A_312, %sub3A_314 : vector<16xi32>
          %mul3A_316 = arith.constant 16 : i32
          %mul3A_317 = arith.muli %scan3A_298, %mul3A_316 : i32
          %add3A_318 = vector.broadcast %mul3A_317 : i32 to vector<16xi32>
          %add3A_319 = arith.addi %iota3A, %add3A_318 : vector<16xi32>
          tpu.vector_store_idx %arg13[%sub3A_315], %add3A_319 masked %le3A_306 : memref<528xi32, #tpu.memory_space<vmem>>[vector<16xi32>], vector<16xi32>, vector<16xi1>
          %slice3A_320 = vector.extract_strided_slice %sub3A_315 {offsets = [15], sizes = [1], strides = [1]} : vector<16xi32> to vector<1xi32>
          %squeeze3A_321 = vector.extract %slice3A_320[0] : i32 from vector<1xi32>
          %add3A_322 = arith.constant 1 : i32
          %add3A_323 = arith.addi %squeeze3A_321, %add3A_322 : i32
          %scan3A_324 = arith.constant 3 : i32
          %scan3A_325 = arith.addi %scan3A_248, %scan3A_324 : i32
          %mul3A_326 = arith.constant 16 : i32
          %mul3A_327 = arith.muli %scan3A_325, %mul3A_326 : i32
          %multiple_of3A_328 = tpu.assume_multiple %mul3A_327, 16 : i32
          %get3A_329 = arith.index_cast %add3A_156 : i32 to index
          %get3A_330 = arith.index_cast %multiple_of3A_328 : i32 to index
          %get3A_331 = tpu.vector_load %arg12[%get3A_329, %get3A_330] {strides = array<i32>} : memref<16x512xf32, #tpu.memory_space<vmem>>, vector<16xf32>,
          %le3A_332 = vector.broadcast %add3A_177 : f32 to vector<16xf32>
          %le3A_333 = arith.cmpf ole, %get3A_331, %le3A_332 : vector<16xf32>
          %convert_element_type3A_334 = arith.extui %le3A_333 : vector<16xi1> to vector<16xi32>
          %broadcast_in_dim3A_335 = arith.constant true
          %broadcast_in_dim3A_336 = vector.broadcast %broadcast_in_dim3A_335 : i1 to vector<16xi1>
          %masked_cumsum3A_337 = tpu.scan <sum>, %convert_element_type3A_334 masked %broadcast_in_dim3A_336 : vector<16xi32>, vector<16xi1> -> vector<16xi32>
          %add3A_338 = vector.broadcast %add3A_323 : i32 to vector<16xi32>
          %add3A_339 = arith.addi %add3A_338, %masked_cumsum3A_337 : vector<16xi32>
          %sub3A_340 = arith.constant 1 : i32
          %sub3A_341 = vector.broadcast %sub3A_340 : i32 to vector<16xi32>
          %sub3A_342 = arith.subi %add3A_339, %sub3A_341 : vector<16xi32>
          %mul3A_343 = arith.constant 16 : i32
          %mul3A_344 = arith.muli %scan3A_325, %mul3A_343 : i32
          %add3A_345 = vector.broadcast %mul3A_344 : i32 to vector<16xi32>
          %add3A_346 = arith.addi %iota3A, %add3A_345 : vector<16xi32>
          tpu.vector_store_idx %arg13[%sub3A_342], %add3A_346 masked %le3A_333 : memref<528xi32, #tpu.memory_space<vmem>>[vector<16xi32>], vector<16xi32>, vector<16xi1>
          %slice3A_347 = vector.extract_strided_slice %sub3A_342 {offsets = [15], sizes = [1], strides = [1]} : vector<16xi32> to vector<1xi32>
          %squeeze3A_348 = vector.extract %slice3A_347[0] : i32 from vector<1xi32>
          %add3A_349 = arith.constant 1 : i32
          %add3A_350 = arith.addi %squeeze3A_348, %add3A_349 : i32
          scf.yield %add3A_350 : i32
        }
        %scan3A_191 = arith.constant 32 : i32
        %while3A = arith.constant 0 : i32
        %while3A_192 = arith.constant 0 : i32
        %while3A_193 = arith.subi %scan3A_190, %while3A : i32
        %while3A_194 = arith.addi %while3A, %while3A_193 : i32
        %while3A_195 = arith.constant 1 : i32
        %while3A_196 = arith.divsi %while3A_193, %while3A_195 : i32
        %while3A_197 = arith.muli %while3A_196, %while3A_195 : i32
        %while3A_198 = arith.addi %while3A, %while3A_197 : i32
        %while3A_199 = arith.constant 1 : i32
        %while3A_200 = scf.for %while3A_248 = %while3A to %while3A_198 step %while3A_199 iter_args(%while3A_249 = %while3A_192) -> (i32)  : i32 {
          %broadcast_in_dim3A_250 = vector.broadcast %while3A_248 : i32 to vector<16xi32>
          %gather3A_251 = tpu.vector_load_idx %arg13[%broadcast_in_dim3A_250] : memref<528xi32, #tpu.memory_space<vmem>>[vector<16xi32>], vector<16xi32>,
          %mul3A_252 = arith.constant 16 : i32
          %mul3A_253 = vector.broadcast %mul3A_252 : i32 to vector<16xi32>
          %mul3A_254 = arith.muli %gather3A_251, %mul3A_253 : vector<16xi32>
          %add3A_255 = arith.addi %mul3A_254, %iota3A : vector<16xi32>
          %mul3A_256 = arith.constant 512 : i32
          %mul3A_257 = vector.broadcast %mul3A_256 : i32 to vector<16xi32>
          %mul3A_258 = arith.muli %iota3A, %mul3A_257 : vector<16xi32>
          %add3A_259 = arith.addi %gather3A_251, %mul3A_258 : vector<16xi32>
          %gather3A_260 = tpu.vector_load_idx %arg8[%add3A_255] : memref<8192xf32, #tpu.memory_space<vmem>>[vector<16xi32>], vector<16xf32>,
          %gather3A_261 = tpu.vector_load_idx %arg9[%add3A_255] : memref<8192xf32, #tpu.memory_space<vmem>>[vector<16xi32>], vector<16xf32>,
          %gather3A_262 = tpu.vector_load_idx %arg10[%add3A_255] : memref<8192xf32, #tpu.memory_space<vmem>>[vector<16xi32>], vector<16xf32>,
          %sub3A_263 = arith.subf %gather3A_260, %gather3A : vector<16xf32>
          %sub3A_264 = arith.subf %gather3A_261, %gather3A_161 : vector<16xf32>
          %sub3A_265 = arith.subf %gather3A_262, %gather3A_165 : vector<16xf32>
          %mul3A_266 = arith.mulf %sub3A_263, %sub3A_263 : vector<16xf32>
          %mul3A_267 = arith.mulf %sub3A_264, %sub3A_264 : vector<16xf32>
          %add3A_268 = arith.addf %mul3A_266, %mul3A_267 : vector<16xf32>
          %mul3A_269 = arith.mulf %sub3A_265, %sub3A_265 : vector<16xf32>
          %add3A_270 = arith.addf %add3A_268, %mul3A_269 : vector<16xf32>
          %mul3A_271 = arith.constant 16 : i32
          %mul3A_272 = arith.muli %while3A_248, %mul3A_271 : i32
          %multiple_of3A_273 = tpu.assume_multiple %mul3A_272, 16 : i32
          %le3A = arith.cmpf ole, %add3A_270, %add3A_184 : vector<16xf32>
          %broadcast_in_dim3A_274 = vector.broadcast %scan3A_54 : f32 to vector<16xf32>
          %select_n3A_275 = arith.select %le3A, %add3A_270, %broadcast_in_dim3A_274 : vector<16xi1>, vector<16xf32>
          %swap3A = arith.index_cast %multiple_of3A_273 : i32 to index
          %swap3A_276 = tpu.vector_load %arg14[%swap3A] {strides = array<i32>} : memref<8208xf32, #tpu.memory_space<vmem>>, vector<16xf32>,
          tpu.vector_store %arg14[%swap3A], %select_n3A_275 {strides = array<i32>} : memref<8208xf32, #tpu.memory_space<vmem>>, vector<16xf32>,
          %swap3A_277 = arith.index_cast %multiple_of3A_273 : i32 to index
          %swap3A_278 = tpu.vector_load %arg15[%swap3A_277] {strides = array<i32>} : memref<8208xi32, #tpu.memory_space<vmem>>, vector<16xi32>,
          tpu.vector_store %arg15[%swap3A_277], %add3A_259 {strides = array<i32>} : memref<8208xi32, #tpu.memory_space<vmem>>, vector<16xi32>,
          %while3A_279 = arith.constant 0 : i32
          scf.yield %while3A_279 : i32
        }
        %while3A_201 = arith.constant 1 : i32
        %while3A_202 = scf.for %while3A_248 = %while3A_198 to %while3A_194 step %while3A_201 iter_args(%while3A_249 = %while3A_200) -> (i32)  : i32 {
          %broadcast_in_dim3A_250 = vector.broadcast %while3A_248 : i32 to vector<16xi32>
          %gather3A_251 = tpu.vector_load_idx %arg13[%broadcast_in_dim3A_250] : memref<528xi32, #tpu.memory_space<vmem>>[vector<16xi32>], vector<16xi32>,
          %mul3A_252 = arith.constant 16 : i32
          %mul3A_253 = vector.broadcast %mul3A_252 : i32 to vector<16xi32>
          %mul3A_254 = arith.muli %gather3A_251, %mul3A_253 : vector<16xi32>
          %add3A_255 = arith.addi %mul3A_254, %iota3A : vector<16xi32>
          %mul3A_256 = arith.constant 512 : i32
          %mul3A_257 = vector.broadcast %mul3A_256 : i32 to vector<16xi32>
          %mul3A_258 = arith.muli %iota3A, %mul3A_257 : vector<16xi32>
          %add3A_259 = arith.addi %gather3A_251, %mul3A_258 : vector<16xi32>
          %gather3A_260 = tpu.vector_load_idx %arg8[%add3A_255] : memref<8192xf32, #tpu.memory_space<vmem>>[vector<16xi32>], vector<16xf32>,
          %gather3A_261 = tpu.vector_load_idx %arg9[%add3A_255] : memref<8192xf32, #tpu.memory_space<vmem>>[vector<16xi32>], vector<16xf32>,
          %gather3A_262 = tpu.vector_load_idx %arg10[%add3A_255] : memref<8192xf32, #tpu.memory_space<vmem>>[vector<16xi32>], vector<16xf32>,
          %sub3A_263 = arith.subf %gather3A_260, %gather3A : vector<16xf32>
          %sub3A_264 = arith.subf %gather3A_261, %gather3A_161 : vector<16xf32>
          %sub3A_265 = arith.subf %gather3A_262, %gather3A_165 : vector<16xf32>
          %mul3A_266 = arith.mulf %sub3A_263, %sub3A_263 : vector<16xf32>
          %mul3A_267 = arith.mulf %sub3A_264, %sub3A_264 : vector<16xf32>
          %add3A_268 = arith.addf %mul3A_266, %mul3A_267 : vector<16xf32>
          %mul3A_269 = arith.mulf %sub3A_265, %sub3A_265 : vector<16xf32>
          %add3A_270 = arith.addf %add3A_268, %mul3A_269 : vector<16xf32>
          %mul3A_271 = arith.constant 16 : i32
          %mul3A_272 = arith.muli %while3A_248, %mul3A_271 : i32
          %multiple_of3A_273 = tpu.assume_multiple %mul3A_272, 16 : i32
          %le3A = arith.cmpf ole, %add3A_270, %add3A_184 : vector<16xf32>
          %broadcast_in_dim3A_274 = vector.broadcast %scan3A_54 : f32 to vector<16xf32>
          %select_n3A_275 = arith.select %le3A, %add3A_270, %broadcast_in_dim3A_274 : vector<16xi1>, vector<16xf32>
          %swap3A = arith.index_cast %multiple_of3A_273 : i32 to index
          %swap3A_276 = tpu.vector_load %arg14[%swap3A] {strides = array<i32>} : memref<8208xf32, #tpu.memory_space<vmem>>, vector<16xf32>,
          tpu.vector_store %arg14[%swap3A], %select_n3A_275 {strides = array<i32>} : memref<8208xf32, #tpu.memory_space<vmem>>, vector<16xf32>,
          %swap3A_277 = arith.index_cast %multiple_of3A_273 : i32 to index
          %swap3A_278 = tpu.vector_load %arg15[%swap3A_277] {strides = array<i32>} : memref<8208xi32, #tpu.memory_space<vmem>>, vector<16xi32>,
          tpu.vector_store %arg15[%swap3A_277], %add3A_259 {strides = array<i32>} : memref<8208xi32, #tpu.memory_space<vmem>>, vector<16xi32>,
          %while3A_279 = arith.constant 0 : i32
          scf.yield %while3A_279 : i32
        }
        %broadcast_in_dim3A_203 = vector.broadcast %scan3A_54 : f32 to vector<16xf32>
        %while3A_204 = arith.constant 0 : i32
        %while3A_205 = arith.subi %scan3A_190, %while3A_204 : i32
        %while3A_206 = arith.addi %while3A_204, %while3A_205 : i32
        %while3A_207 = arith.constant 1 : i32
        %while3A_208 = arith.divsi %while3A_205, %while3A_207 : i32
        %while3A_209 = arith.muli %while3A_208, %while3A_207 : i32
        %while3A_210 = arith.addi %while3A_204, %while3A_209 : i32
        %while3A_211 = arith.constant 1 : i32
        %while3A_212:2 = scf.for %while3A_248 = %while3A_204 to %while3A_210 step %while3A_211 iter_args(%while3A_249 = %broadcast_in_dim3A_203, %while3A_250 = %broadcast_in_dim3A_33) -> (vector<16xf32>, vector<16xi32>)  : i32 {
          %mul3A_251 = arith.constant 16 : i32
          %mul3A_252 = arith.muli %while3A_248, %mul3A_251 : i32
          %multiple_of3A_253 = tpu.assume_multiple %mul3A_252, 16 : i32
          %get3A = arith.index_cast %multiple_of3A_253 : i32 to index
          %get3A_254 = tpu.vector_load %arg14[%get3A] {strides = array<i32>} : memref<8208xf32, #tpu.memory_space<vmem>>, vector<16xf32>,
          %slice3A = vector.extract_strided_slice %while3A_249 {offsets = [15], sizes = [1], strides = [1]} : vector<16xf32> to vector<1xf32>
          %squeeze3A = vector.extract %slice3A[0] : f32 from vector<1xf32>
          %lt3A_255 = vector.broadcast %squeeze3A : f32 to vector<16xf32>
          %lt3A_256 = arith.cmpf olt, %get3A_254, %lt3A_255 : vector<16xf32>
          %all_reduce_population_count3A = tpu.all_reduce %lt3A_256 {dim = 0 : i64, kind = #tpu.reduction_kind<sum>} : vector<16xi1> -> vector<16xi32>
          %slice3A_257 = vector.extract_strided_slice %all_reduce_population_count3A {offsets = [0], sizes = [1], strides = [1]} : vector<16xi32> to vector<1xi32>
          %squeeze3A_258 = vector.extract %slice3A_257[0] : i32 from vector<1xi32>
          %gt3A = arith.constant 0 : i32
          %gt3A_259 = arith.cmpi sgt, %squeeze3A_258, %gt3A : i32
          %convert_element_type3A_260 = arith.extui %gt3A_259 : i1 to i32
          %cond3A_261 = arith.constant 0 : i32
          %cond3A_262 = arith.cmpi ne, %convert_element_type3A_260, %cond3A_261 : i32
          %cond3A_263:2 = scf.if %cond3A_262 -> (vector<16xf32>, vector<16xi32>) {
            %get3A_264 = arith.index_cast %multiple_of3A_253 : i32 to index
            %get3A_265 = tpu.vector_load %arg15[%get3A_264] {strides = array<i32>} : memref<8208xi32, #tpu.memory_space<vmem>>, vector<16xi32>,
            %masked_sort3A = arith.constant dense<true> : vector<16xi1>
            %masked_sort3A_266, %masked_sort3A_267, %masked_sort3A_268 = tpu.sort %get3A_254, %get3A_265 masked %masked_sort3A : (vector<16xf32>, vector<16xi32>, vector<16xi1>) -> (vector<16xi1>, vector<16xf32>, vector<16xi32>)
            %rev3A = arith.constant 15 : i32
            %rev3A_269 = vector.broadcast %rev3A : i32 to vector<16xi32>
            %rev3A_270 = tpu.iota {dimensions = array<i32: 0>} : vector<16xi32>
            %rev3A_271 = arith.subi %rev3A_269, %rev3A_270 : vector<16xi32>
            %rev3A_272 = tpu.dynamic_gather %masked_sort3A_267[%rev3A_271] in [0] : vector<16xf32>, vector<16xi32> -> vector<16xf32>
            %rev3A_273 = arith.constant 15 : i32
            %rev3A_274 = vector.broadcast %rev3A_273 : i32 to vector<16xi32>
            %rev3A_275 = tpu.iota {dimensions = array<i32: 0>} : vector<16xi32>
            %rev3A_276 = arith.subi %rev3A_274, %rev3A_275 : vector<16xi32>
            %rev3A_277 = tpu.dynamic_gather %masked_sort3A_268[%rev3A_276] in [0] : vector<16xi32>, vector<16xi32> -> vector<16xi32>
            %le3A = arith.cmpf ole, %while3A_249, %rev3A_272 : vector<16xf32>
            %select_n3A_278 = arith.select %le3A, %while3A_249, %rev3A_272 : vector<16xi1>, vector<16xf32>
            %select_n3A_279 = arith.select %le3A, %while3A_250, %rev3A_277 : vector<16xi1>, vector<16xi32>
            %masked_sort3A_280 = arith.constant dense<true> : vector<16xi1>
            %masked_sort3A_281, %masked_sort3A_282, %masked_sort3A_283 = tpu.sort %select_n3A_278, %select_n3A_279 masked %masked_sort3A_280 : (vector<16xf32>, vector<16xi32>, vector<16xi1>) -> (vector<16xi1>, vector<16xf32>, vector<16xi32>)
            scf.yield %masked_sort3A_282, %masked_sort3A_283 : vector<16xf32>, vector<16xi32>
          } else {
            scf.yield %while3A_249, %while3A_250 : vector<16xf32>, vector<16xi32>
          }
          scf.yield %cond3A_263#0, %cond3A_263#1 : vector<16xf32>, vector<16xi32>
        }
        %while3A_213 = arith.constant 1 : i32
        %while3A_214:2 = scf.for %while3A_248 = %while3A_210 to %while3A_206 step %while3A_213 iter_args(%while3A_249 = %while3A_212#0, %while3A_250 = %while3A_212#1) -> (vector<16xf32>, vector<16xi32>)  : i32 {
          %mul3A_251 = arith.constant 16 : i32
          %mul3A_252 = arith.muli %while3A_248, %mul3A_251 : i32
          %multiple_of3A_253 = tpu.assume_multiple %mul3A_252, 16 : i32
          %get3A = arith.index_cast %multiple_of3A_253 : i32 to index
          %get3A_254 = tpu.vector_load %arg14[%get3A] {strides = array<i32>} : memref<8208xf32, #tpu.memory_space<vmem>>, vector<16xf32>,
          %slice3A = vector.extract_strided_slice %while3A_249 {offsets = [15], sizes = [1], strides = [1]} : vector<16xf32> to vector<1xf32>
          %squeeze3A = vector.extract %slice3A[0] : f32 from vector<1xf32>
          %lt3A_255 = vector.broadcast %squeeze3A : f32 to vector<16xf32>
          %lt3A_256 = arith.cmpf olt, %get3A_254, %lt3A_255 : vector<16xf32>
          %all_reduce_population_count3A = tpu.all_reduce %lt3A_256 {dim = 0 : i64, kind = #tpu.reduction_kind<sum>} : vector<16xi1> -> vector<16xi32>
          %slice3A_257 = vector.extract_strided_slice %all_reduce_population_count3A {offsets = [0], sizes = [1], strides = [1]} : vector<16xi32> to vector<1xi32>
          %squeeze3A_258 = vector.extract %slice3A_257[0] : i32 from vector<1xi32>
          %gt3A = arith.constant 0 : i32
          %gt3A_259 = arith.cmpi sgt, %squeeze3A_258, %gt3A : i32
          %convert_element_type3A_260 = arith.extui %gt3A_259 : i1 to i32
          %cond3A_261 = arith.constant 0 : i32
          %cond3A_262 = arith.cmpi ne, %convert_element_type3A_260, %cond3A_261 : i32
          %cond3A_263:2 = scf.if %cond3A_262 -> (vector<16xf32>, vector<16xi32>) {
            %get3A_264 = arith.index_cast %multiple_of3A_253 : i32 to index
            %get3A_265 = tpu.vector_load %arg15[%get3A_264] {strides = array<i32>} : memref<8208xi32, #tpu.memory_space<vmem>>, vector<16xi32>,
            %masked_sort3A = arith.constant dense<true> : vector<16xi1>
            %masked_sort3A_266, %masked_sort3A_267, %masked_sort3A_268 = tpu.sort %get3A_254, %get3A_265 masked %masked_sort3A : (vector<16xf32>, vector<16xi32>, vector<16xi1>) -> (vector<16xi1>, vector<16xf32>, vector<16xi32>)
            %rev3A = arith.constant 15 : i32
            %rev3A_269 = vector.broadcast %rev3A : i32 to vector<16xi32>
            %rev3A_270 = tpu.iota {dimensions = array<i32: 0>} : vector<16xi32>
            %rev3A_271 = arith.subi %rev3A_269, %rev3A_270 : vector<16xi32>
            %rev3A_272 = tpu.dynamic_gather %masked_sort3A_267[%rev3A_271] in [0] : vector<16xf32>, vector<16xi32> -> vector<16xf32>
            %rev3A_273 = arith.constant 15 : i32
            %rev3A_274 = vector.broadcast %rev3A_273 : i32 to vector<16xi32>
            %rev3A_275 = tpu.iota {dimensions = array<i32: 0>} : vector<16xi32>
            %rev3A_276 = arith.subi %rev3A_274, %rev3A_275 : vector<16xi32>
            %rev3A_277 = tpu.dynamic_gather %masked_sort3A_268[%rev3A_276] in [0] : vector<16xi32>, vector<16xi32> -> vector<16xi32>
            %le3A = arith.cmpf ole, %while3A_249, %rev3A_272 : vector<16xf32>
            %select_n3A_278 = arith.select %le3A, %while3A_249, %rev3A_272 : vector<16xi1>, vector<16xf32>
            %select_n3A_279 = arith.select %le3A, %while3A_250, %rev3A_277 : vector<16xi1>, vector<16xi32>
            %masked_sort3A_280 = arith.constant dense<true> : vector<16xi1>
            %masked_sort3A_281, %masked_sort3A_282, %masked_sort3A_283 = tpu.sort %select_n3A_278, %select_n3A_279 masked %masked_sort3A_280 : (vector<16xf32>, vector<16xi32>, vector<16xi1>) -> (vector<16xi1>, vector<16xf32>, vector<16xi32>)
            scf.yield %masked_sort3A_282, %masked_sort3A_283 : vector<16xf32>, vector<16xi32>
          } else {
            scf.yield %while3A_249, %while3A_250 : vector<16xf32>, vector<16xi32>
          }
          scf.yield %cond3A_263#0, %cond3A_263#1 : vector<16xf32>, vector<16xi32>
        }
        %and3A_215 = arith.constant 511 : i32
        %and3A_216 = vector.broadcast %and3A_215 : i32 to vector<16xi32>
        %and3A_217 = arith.andi %while3A_214#1, %and3A_216 : vector<16xi32>
        %mul3A_218 = arith.constant 16 : i32
        %mul3A_219 = vector.broadcast %mul3A_218 : i32 to vector<16xi32>
        %mul3A_220 = arith.muli %and3A_217, %mul3A_219 : vector<16xi32>
        %shift_right_arithmetic3A = arith.constant 9 : i32
        %shift_right_arithmetic3A_221 = vector.broadcast %shift_right_arithmetic3A : i32 to vector<16xi32>
        %shift_right_arithmetic3A_222 = arith.shrsi %while3A_214#1, %shift_right_arithmetic3A_221 : vector<16xi32>
        %add3A_223 = arith.addi %mul3A_220, %shift_right_arithmetic3A_222 : vector<16xi32>
        %gather3A_224 = tpu.vector_load_idx %arg8[%add3A_223] : memref<8192xf32, #tpu.memory_space<vmem>>[vector<16xi32>], vector<16xf32>,
        %gather3A_225 = tpu.vector_load_idx %arg9[%add3A_223] : memref<8192xf32, #tpu.memory_space<vmem>>[vector<16xi32>], vector<16xf32>,
        %gather3A_226 = tpu.vector_load_idx %arg10[%add3A_223] : memref<8192xf32, #tpu.memory_space<vmem>>[vector<16xi32>], vector<16xf32>,
        %mul3A_227 = arith.constant 128 : i32
        %mul3A_228 = arith.muli %scan3A_149, %mul3A_227 : i32
        %add3A_229 = vector.broadcast %mul3A_228 : i32 to vector<16xi32>
        %add3A_230 = arith.addi %mul3A_36, %add3A_229 : vector<16xi32>
        %mul3A_231 = arith.constant 16 : i32
        %mul3A_232 = arith.muli %scan3A_149, %mul3A_231 : i32
        %multiple_of3A = tpu.assume_multiple %mul3A_232, 16 : i32
        %mul3A_233 = arith.constant 8192 : i32
        %mul3A_234 = arith.muli %select_n3A, %mul3A_233 : i32
        %add3A_235 = vector.broadcast %mul3A_234 : i32 to vector<16xi32>
        %add3A_236 = arith.addi %while3A_214#1, %add3A_235 : vector<16xi32>
        %eq3A_237 = arith.constant 0 : i32
        %eq3A_238 = arith.cmpi eq, %select_n3A_103, %eq3A_237 : i32
        %convert_element_type3A_239 = arith.extui %eq3A_238 : i1 to i32
        %cond3A_240 = arith.constant 0 : i32
        %cond3A_241 = arith.cmpi ne, %convert_element_type3A_239, %cond3A_240 : i32
        scf.if %cond3A_241 {
          %sub3A_248 = arith.subf %gather3A, %gather3A_224 : vector<16xf32>
          tpu.vector_store_idx %arg20[%add3A_230], %sub3A_248 : memref<1024xf32, #tpu.memory_space<vmem>>[vector<16xi32>], vector<16xf32>,
          %add3A_249 = arith.constant 1 : i32
          %add3A_250 = vector.broadcast %add3A_249 : i32 to vector<16xi32>
          %add3A_251 = arith.addi %add3A_230, %add3A_250 : vector<16xi32>
          %sub3A_252 = arith.subf %gather3A_161, %gather3A_225 : vector<16xf32>
          tpu.vector_store_idx %arg20[%add3A_251], %sub3A_252 : memref<1024xf32, #tpu.memory_space<vmem>>[vector<16xi32>], vector<16xf32>,
          %add3A_253 = arith.constant 2 : i32
          %add3A_254 = vector.broadcast %add3A_253 : i32 to vector<16xi32>
          %add3A_255 = arith.addi %add3A_230, %add3A_254 : vector<16xi32>
          %sub3A_256 = arith.subf %gather3A_165, %gather3A_226 : vector<16xf32>
          tpu.vector_store_idx %arg20[%add3A_255], %sub3A_256 : memref<1024xf32, #tpu.memory_space<vmem>>[vector<16xi32>], vector<16xf32>,
          %swap3A = arith.index_cast %multiple_of3A : i32 to index
          %swap3A_257 = tpu.vector_load %arg16[%swap3A] {strides = array<i32>} : memref<128xi32, #tpu.memory_space<vmem>>, vector<16xi32>,
          tpu.vector_store %arg16[%swap3A], %add3A_236 {strides = array<i32>} : memref<128xi32, #tpu.memory_space<vmem>>, vector<16xi32>,
        } else {
        }
        %eq3A_242 = arith.constant 1 : i32
        %eq3A_243 = arith.cmpi eq, %select_n3A_103, %eq3A_242 : i32
        %convert_element_type3A_244 = arith.extui %eq3A_243 : i1 to i32
        %cond3A_245 = arith.constant 0 : i32
        %cond3A_246 = arith.cmpi ne, %convert_element_type3A_244, %cond3A_245 : i32
        scf.if %cond3A_246 {
          %sub3A_248 = arith.subf %gather3A, %gather3A_224 : vector<16xf32>
          tpu.vector_store_idx %arg21[%add3A_230], %sub3A_248 : memref<1024xf32, #tpu.memory_space<vmem>>[vector<16xi32>], vector<16xf32>,
          %add3A_249 = arith.constant 1 : i32
          %add3A_250 = vector.broadcast %add3A_249 : i32 to vector<16xi32>
          %add3A_251 = arith.addi %add3A_230, %add3A_250 : vector<16xi32>
          %sub3A_252 = arith.subf %gather3A_161, %gather3A_225 : vector<16xf32>
          tpu.vector_store_idx %arg21[%add3A_251], %sub3A_252 : memref<1024xf32, #tpu.memory_space<vmem>>[vector<16xi32>], vector<16xf32>,
          %add3A_253 = arith.constant 2 : i32
          %add3A_254 = vector.broadcast %add3A_253 : i32 to vector<16xi32>
          %add3A_255 = arith.addi %add3A_230, %add3A_254 : vector<16xi32>
          %sub3A_256 = arith.subf %gather3A_165, %gather3A_226 : vector<16xf32>
          tpu.vector_store_idx %arg21[%add3A_255], %sub3A_256 : memref<1024xf32, #tpu.memory_space<vmem>>[vector<16xi32>], vector<16xf32>,
          %swap3A = arith.index_cast %multiple_of3A : i32 to index
          %swap3A_257 = tpu.vector_load %arg17[%swap3A] {strides = array<i32>} : memref<128xi32, #tpu.memory_space<vmem>>, vector<16xi32>,
          tpu.vector_store %arg17[%swap3A], %add3A_236 {strides = array<i32>} : memref<128xi32, #tpu.memory_space<vmem>>, vector<16xi32>,
        } else {
        }
        %scan3A_247 = arith.constant 0 : i32
        scf.yield %scan3A_247 : i32
      }
      %scan3A_132 = arith.constant 8 : i32
      %eq3A_133 = arith.constant 0 : i32
      %eq3A_134 = arith.cmpi eq, %select_n3A_103, %eq3A_133 : i32
      %convert_element_type3A_135 = arith.extui %eq3A_134 : i1 to i32
      %cond3A_136 = arith.constant 0 : i32
      %cond3A_137 = arith.cmpi ne, %convert_element_type3A_135, %cond3A_136 : i32
      scf.if %cond3A_137 {
        %dma_start3A_149 = arith.constant 0 : i32
        %dma_start3A_150 = arith.constant 0 : i32
        %dma_start3A_151 = tpu.memref_slice %arg5[%dma_start3A_149, %dma_start3A_150] : memref<32768x128xf32, #tpu.memory_space<hbm>> -> memref<32768x128xf32, #tpu.memory_space<hbm>>
        tpu.enqueue_indirect_dma source(%dma_start3A_151 : memref<32768x128xf32, #tpu.memory_space<hbm>>) target(%arg18 : memref<128x128xf32, #tpu.memory_space<vmem>>) offsets(%arg16 : memref<128xi32, #tpu.memory_space<vmem>>) semaphore(%arg24 : memref<!tpu.dma_semaphore, #tpu.memory_space<semaphore_mem>>)
        %mul3A_152 = arith.constant 128 : i32
        %mul3A_153 = arith.muli %add3A_106, %mul3A_152 : i32
        %dma_start3A_154 = tpu.memref_slice %arg7[%mul3A_153] : memref<1048576xf32, #tpu.memory_space<hbm>> -> memref<1024xf32, #tpu.memory_space<hbm>>
        %dma_start3A_155 = tpu.memref_slice %arg7[%mul3A_153] : memref<1048576xf32, #tpu.memory_space<hbm>> -> memref<1024xf32, #tpu.memory_space<hbm>>
        tpu.enqueue_dma source(%arg20 : memref<1024xf32, #tpu.memory_space<vmem>>) target(%dma_start3A_155 : memref<1024xf32, #tpu.memory_space<hbm>>) target_semaphore(%arg28 : memref<!tpu.dma_semaphore, #tpu.memory_space<semaphore_mem>>)
      } else {
      }
      %eq3A_138 = arith.constant 1 : i32
      %eq3A_139 = arith.cmpi eq, %select_n3A_103, %eq3A_138 : i32
      %convert_element_type3A_140 = arith.extui %eq3A_139 : i1 to i32
      %cond3A_141 = arith.constant 0 : i32
      %cond3A_142 = arith.cmpi ne, %convert_element_type3A_140, %cond3A_141 : i32
      scf.if %cond3A_142 {
        %dma_start3A_149 = arith.constant 0 : i32
        %dma_start3A_150 = arith.constant 0 : i32
        %dma_start3A_151 = tpu.memref_slice %arg5[%dma_start3A_149, %dma_start3A_150] : memref<32768x128xf32, #tpu.memory_space<hbm>> -> memref<32768x128xf32, #tpu.memory_space<hbm>>
        tpu.enqueue_indirect_dma source(%dma_start3A_151 : memref<32768x128xf32, #tpu.memory_space<hbm>>) target(%arg19 : memref<128x128xf32, #tpu.memory_space<vmem>>) offsets(%arg17 : memref<128xi32, #tpu.memory_space<vmem>>) semaphore(%arg25 : memref<!tpu.dma_semaphore, #tpu.memory_space<semaphore_mem>>)
        %mul3A_152 = arith.constant 128 : i32
        %mul3A_153 = arith.muli %add3A_106, %mul3A_152 : i32
        %dma_start3A_154 = tpu.memref_slice %arg7[%mul3A_153] : memref<1048576xf32, #tpu.memory_space<hbm>> -> memref<1024xf32, #tpu.memory_space<hbm>>
        %dma_start3A_155 = tpu.memref_slice %arg7[%mul3A_153] : memref<1048576xf32, #tpu.memory_space<hbm>> -> memref<1024xf32, #tpu.memory_space<hbm>>
        tpu.enqueue_dma source(%arg21 : memref<1024xf32, #tpu.memory_space<vmem>>) target(%dma_start3A_155 : memref<1024xf32, #tpu.memory_space<hbm>>) target_semaphore(%arg29 : memref<!tpu.dma_semaphore, #tpu.memory_space<semaphore_mem>>)
      } else {
      }
      %ge3A_143 = arith.constant 1 : i32
      %ge3A_144 = arith.cmpi sge, %scan3A_86, %ge3A_143 : i32
      %convert_element_type3A_145 = arith.extui %ge3A_144 : i1 to i32
      %cond3A_146 = arith.constant 0 : i32
      %cond3A_147 = arith.cmpi ne, %convert_element_type3A_145, %cond3A_146 : i32
      scf.if %cond3A_147 {
        %sub3A_149 = arith.constant 8 : i32
        %sub3A_150 = arith.subi %add3A_106, %sub3A_149 : i32
        %sub3A_151 = arith.constant 1 : i32
        %sub3A_152 = arith.subi %sub3A_151, %select_n3A_103 : i32
        %eq3A_153 = arith.constant 0 : i32
        %eq3A_154 = arith.cmpi eq, %sub3A_152, %eq3A_153 : i32
        %convert_element_type3A_155 = arith.extui %eq3A_154 : i1 to i32
        %cond3A_156 = arith.constant 0 : i32
        %cond3A_157 = arith.cmpi ne, %convert_element_type3A_155, %cond3A_156 : i32
        scf.if %cond3A_157 {
          %dma_wait3A_163 = arith.constant 0 : i32
          %dma_wait3A_164 = arith.constant 0 : i32
          %dma_wait3A_165 = tpu.memref_slice %arg5[%dma_wait3A_163, %dma_wait3A_164] : memref<32768x128xf32, #tpu.memory_space<hbm>> -> memref<32768x128xf32, #tpu.memory_space<hbm>>
          tpu.wait_indirect_dma semaphore(%arg24 : memref<!tpu.dma_semaphore, #tpu.memory_space<semaphore_mem>>) src(%dma_wait3A_165 : memref<32768x128xf32, #tpu.memory_space<hbm>>) dst(%arg18 : memref<128x128xf32, #tpu.memory_space<vmem>>)
          %mul3A_166 = arith.constant 16 : i32
          %mul3A_167 = arith.muli %sub3A_150, %mul3A_166 : i32
          %dma_start3A_168 = arith.constant 0 : i32
          %dma_start3A_169 = tpu.memref_slice %arg6[%mul3A_167, %dma_start3A_168] : memref<131072x128xf32, #tpu.memory_space<hbm>> -> memref<128x128xf32, #tpu.memory_space<hbm>>
          %dma_start3A_170 = arith.constant 0 : i32
          %dma_start3A_171 = tpu.memref_slice %arg6[%mul3A_167, %dma_start3A_170] : memref<131072x128xf32, #tpu.memory_space<hbm>> -> memref<128x128xf32, #tpu.memory_space<hbm>>
          tpu.enqueue_dma source(%arg18 : memref<128x128xf32, #tpu.memory_space<vmem>>) target(%dma_start3A_171 : memref<128x128xf32, #tpu.memory_space<hbm>>) target_semaphore(%arg26 : memref<!tpu.dma_semaphore, #tpu.memory_space<semaphore_mem>>)
        } else {
        }
        %eq3A_158 = arith.constant 1 : i32
        %eq3A_159 = arith.cmpi eq, %sub3A_152, %eq3A_158 : i32
        %convert_element_type3A_160 = arith.extui %eq3A_159 : i1 to i32
        %cond3A_161 = arith.constant 0 : i32
        %cond3A_162 = arith.cmpi ne, %convert_element_type3A_160, %cond3A_161 : i32
        scf.if %cond3A_162 {
          %dma_wait3A_163 = arith.constant 0 : i32
          %dma_wait3A_164 = arith.constant 0 : i32
          %dma_wait3A_165 = tpu.memref_slice %arg5[%dma_wait3A_163, %dma_wait3A_164] : memref<32768x128xf32, #tpu.memory_space<hbm>> -> memref<32768x128xf32, #tpu.memory_space<hbm>>
          tpu.wait_indirect_dma semaphore(%arg25 : memref<!tpu.dma_semaphore, #tpu.memory_space<semaphore_mem>>) src(%dma_wait3A_165 : memref<32768x128xf32, #tpu.memory_space<hbm>>) dst(%arg19 : memref<128x128xf32, #tpu.memory_space<vmem>>)
          %mul3A_166 = arith.constant 16 : i32
          %mul3A_167 = arith.muli %sub3A_150, %mul3A_166 : i32
          %dma_start3A_168 = arith.constant 0 : i32
          %dma_start3A_169 = tpu.memref_slice %arg6[%mul3A_167, %dma_start3A_168] : memref<131072x128xf32, #tpu.memory_space<hbm>> -> memref<128x128xf32, #tpu.memory_space<hbm>>
          %dma_start3A_170 = arith.constant 0 : i32
          %dma_start3A_171 = tpu.memref_slice %arg6[%mul3A_167, %dma_start3A_170] : memref<131072x128xf32, #tpu.memory_space<hbm>> -> memref<128x128xf32, #tpu.memory_space<hbm>>
          tpu.enqueue_dma source(%arg19 : memref<128x128xf32, #tpu.memory_space<vmem>>) target(%dma_start3A_171 : memref<128x128xf32, #tpu.memory_space<hbm>>) target_semaphore(%arg27 : memref<!tpu.dma_semaphore, #tpu.memory_space<semaphore_mem>>)
        } else {
        }
      } else {
      }
      %scan3A_148 = arith.constant 0 : i32
      scf.yield %scan3A_148 : i32
    }
    %scan3A_61 = arith.constant 32 : i32
    %add3A_62 = arith.constant 248 : i32
    %add3A_63 = arith.addi %mul3A_2, %add3A_62 : i32
    %dma_wait3A = arith.constant 0 : i32
    %dma_wait3A_64 = arith.constant 0 : i32
    %dma_wait3A_65 = tpu.memref_slice %arg5[%dma_wait3A, %dma_wait3A_64] : memref<32768x128xf32, #tpu.memory_space<hbm>> -> memref<32768x128xf32, #tpu.memory_space<hbm>>
    tpu.wait_indirect_dma semaphore(%arg25 : memref<!tpu.dma_semaphore, #tpu.memory_space<semaphore_mem>>) src(%dma_wait3A_65 : memref<32768x128xf32, #tpu.memory_space<hbm>>) dst(%arg19 : memref<128x128xf32, #tpu.memory_space<vmem>>)
    %mul3A_66 = arith.constant 16 : i32
    %mul3A_67 = arith.muli %add3A_63, %mul3A_66 : i32
    "tpu.region"() ({
      %run_scoped3A_86 = tpu.sem_alloc : memref<!tpu.dma_semaphore, #tpu.memory_space<semaphore_mem>>
      %dma_start3A_87 = arith.constant 0 : i32
      %dma_start3A_88 = tpu.memref_slice %arg6[%mul3A_67, %dma_start3A_87] : memref<131072x128xf32, #tpu.memory_space<hbm>> -> memref<128x128xf32, #tpu.memory_space<hbm>>
      %dma_start3A_89 = arith.constant 0 : i32
      %dma_start3A_90 = tpu.memref_slice %arg6[%mul3A_67, %dma_start3A_89] : memref<131072x128xf32, #tpu.memory_space<hbm>> -> memref<128x128xf32, #tpu.memory_space<hbm>>
      tpu.enqueue_dma source(%arg19 : memref<128x128xf32, #tpu.memory_space<vmem>>) target(%dma_start3A_90 : memref<128x128xf32, #tpu.memory_space<hbm>>) target_semaphore(%run_scoped3A_86 : memref<!tpu.dma_semaphore, #tpu.memory_space<semaphore_mem>>)
      %dma_wait3A_91 = arith.constant 0 : i32
      %dma_wait3A_92 = tpu.memref_slice %arg6[%mul3A_67, %dma_wait3A_91] : memref<131072x128xf32, #tpu.memory_space<hbm>> -> memref<128x128xf32, #tpu.memory_space<hbm>>
      %dma_wait3A_93 = arith.constant 0 : i32
      %dma_wait3A_94 = tpu.memref_slice %arg6[%mul3A_67, %dma_wait3A_93] : memref<131072x128xf32, #tpu.memory_space<hbm>> -> memref<128x128xf32, #tpu.memory_space<hbm>>
      tpu.wait_dma2 semaphore(%run_scoped3A_86 : memref<!tpu.dma_semaphore, #tpu.memory_space<semaphore_mem>>) src(%arg19 : memref<128x128xf32, #tpu.memory_space<vmem>>) dst(%dma_wait3A_94 : memref<128x128xf32, #tpu.memory_space<hbm>>)
      tpu.yield
    }) : () -> ()
    %sub3A_68 = arith.constant 8 : i32
    %sub3A_69 = arith.subi %add3A_63, %sub3A_68 : i32
    %mul3A_70 = arith.constant 16 : i32
    %mul3A_71 = arith.muli %sub3A_69, %mul3A_70 : i32
    %dma_wait3A_72 = arith.constant 0 : i32
    %dma_wait3A_73 = tpu.memref_slice %arg6[%mul3A_71, %dma_wait3A_72] : memref<131072x128xf32, #tpu.memory_space<hbm>> -> memref<128x128xf32, #tpu.memory_space<hbm>>
    %dma_wait3A_74 = arith.constant 0 : i32
    %dma_wait3A_75 = tpu.memref_slice %arg6[%mul3A_71, %dma_wait3A_74] : memref<131072x128xf32, #tpu.memory_space<hbm>> -> memref<128x128xf32, #tpu.memory_space<hbm>>
    tpu.wait_dma2 semaphore(%arg26 : memref<!tpu.dma_semaphore, #tpu.memory_space<semaphore_mem>>) src(%arg18 : memref<128x128xf32, #tpu.memory_space<vmem>>) dst(%dma_wait3A_75 : memref<128x128xf32, #tpu.memory_space<hbm>>)
    %sub3A_76 = arith.constant 8 : i32
    %sub3A_77 = arith.subi %add3A_63, %sub3A_76 : i32
    %mul3A_78 = arith.constant 128 : i32
    %mul3A_79 = arith.muli %sub3A_77, %mul3A_78 : i32
    %dma_wait3A_80 = tpu.memref_slice %arg7[%mul3A_79] : memref<1048576xf32, #tpu.memory_space<hbm>> -> memref<1024xf32, #tpu.memory_space<hbm>>
    %dma_wait3A_81 = tpu.memref_slice %arg7[%mul3A_79] : memref<1048576xf32, #tpu.memory_space<hbm>> -> memref<1024xf32, #tpu.memory_space<hbm>>
    tpu.wait_dma2 semaphore(%arg28 : memref<!tpu.dma_semaphore, #tpu.memory_space<semaphore_mem>>) src(%arg20 : memref<1024xf32, #tpu.memory_space<vmem>>) dst(%dma_wait3A_81 : memref<1024xf32, #tpu.memory_space<hbm>>)
    %mul3A_82 = arith.constant 128 : i32
    %mul3A_83 = arith.muli %add3A_63, %mul3A_82 : i32
    %dma_wait3A_84 = tpu.memref_slice %arg7[%mul3A_83] : memref<1048576xf32, #tpu.memory_space<hbm>> -> memref<1024xf32, #tpu.memory_space<hbm>>
    %dma_wait3A_85 = tpu.memref_slice %arg7[%mul3A_83] : memref<1048576xf32, #tpu.memory_space<hbm>> -> memref<1024xf32, #tpu.memory_space<hbm>>
    tpu.wait_dma2 semaphore(%arg29 : memref<!tpu.dma_semaphore, #tpu.memory_space<semaphore_mem>>) src(%arg21 : memref<1024xf32, #tpu.memory_space<vmem>>) dst(%dma_wait3A_85 : memref<1024xf32, #tpu.memory_space<hbm>>)
    return
  }
}

module attributes {stable_mosaic.version = 14 : i64} {
  func.func @_k1_body(%arg0: i32, %arg1: i32, %arg2: memref<1x1024x3xf32, #tpu.memory_space<vmem>>, %arg3: memref<4x128xf32, #tpu.memory_space<vmem>>, %arg4: memref<128xf32, #tpu.memory_space<vmem>>, %arg5: memref<128x256xf32, #tpu.memory_space<vmem>>, %arg6: memref<256xf32, #tpu.memory_space<vmem>>, %arg7: memref<1x1024x128xf32, #tpu.memory_space<vmem>>, %arg8: memref<1x1x256xf32, #tpu.memory_space<vmem>>, %arg9: memref<1x4x1024xf32, #tpu.memory_space<vmem>>) attributes {dimension_semantics = [#tpu.dimension_semantics<arbitrary>, #tpu.dimension_semantics<arbitrary>], iteration_bounds = array<i64: 4, 8>, scalar_prefetch = 0 : i64, scratch_operands = 0 : i64, tpu.core_type = #tpu.core_type<tc>, window_params = [{transform_indices = @transform_0, window_bounds = array<i64: 1, 1024, 3>}, {pipeline_mode = #tpu.pipeline_mode<synchronous>, transform_indices = @transform_1, window_bounds = array<i64: 4, 128>}, {pipeline_mode = #tpu.pipeline_mode<synchronous>, transform_indices = @transform_2, window_bounds = array<i64: 128>}, {pipeline_mode = #tpu.pipeline_mode<synchronous>, transform_indices = @transform_3, window_bounds = array<i64: 128, 256>}, {pipeline_mode = #tpu.pipeline_mode<synchronous>, transform_indices = @transform_4, window_bounds = array<i64: 256>}, {transform_indices = @transform_5, window_bounds = array<i64: 1, 1024, 128>}, {transform_indices = @transform_6, window_bounds = array<i64: 1, 1, 256>}, {transform_indices = @transform_7, window_bounds = array<i64: 1, 4, 1024>}]} {
    %get3A = arith.constant 0 : index
    %get3A_0 = arith.constant 0 : index
    %get3A_1 = arith.constant 0 : index
    %get3A_2 = vector.load %arg2[%get3A, %get3A_0, %get3A_1] : memref<1x1024x3xf32, #tpu.memory_space<vmem>>, vector<1x1024x3xf32>
    %get3A_3 = vector.shape_cast %get3A_2 : vector<1x1024x3xf32> to vector<1024x3xf32>
    %broadcast_in_dim3A = arith.constant 0.000000e+00 : f32
    %broadcast_in_dim3A_4 = vector.broadcast %broadcast_in_dim3A : f32 to vector<1024x1xf32>
    %concatenate3A = tpu.concatenate %get3A_3, %broadcast_in_dim3A_4 in 1 : vector<1024x3xf32>, vector<1024x1xf32> -> vector<1024x4xf32>
    %get3A_5 = arith.constant 0 : index
    %get3A_6 = arith.constant 0 : index
    %get3A_7 = vector.load %arg3[%get3A_5, %get3A_6] : memref<4x128xf32, #tpu.memory_space<vmem>>, vector<4x128xf32>
    %dot_general3A = arith.constant dense<0.000000e+00> : vector<1024x128xf32>
    %dot_general3A_8 = tpu.matmul %concatenate3A, %get3A_7, %dot_general3A {dimension_numbers = #tpu.dot_dimension_numbers<[1], [0], [0], [1], [0, 0, 1, 1], [], []>, transpose_lhs_hint = false} : vector<1024x4xf32>, vector<4x128xf32>, vector<1024x128xf32> -> vector<1024x128xf32>
    %get3A_9 = arith.constant 0 : index
    %get3A_10 = vector.load %arg4[%get3A_9] : memref<128xf32, #tpu.memory_space<vmem>>, vector<128xf32>
    %broadcast_in_dim3A_11 = vector.shape_cast %get3A_10 : vector<128xf32> to vector<1x128xf32>
    %add3A = vector.broadcast %broadcast_in_dim3A_11 : vector<1x128xf32> to vector<1024x128xf32>
    %add3A_12 = arith.addf %dot_general3A_8, %add3A : vector<1024x128xf32>
    %ge3A = arith.constant 0.000000e+00 : f32
    %ge3A_13 = vector.broadcast %ge3A : f32 to vector<1024x128xf32>
    %ge3A_14 = arith.cmpf oge, %add3A_12, %ge3A_13 : vector<1024x128xf32>
    %mul3A = arith.constant 2.000000e-01 : f32
    %mul3A_15 = vector.broadcast %mul3A : f32 to vector<1024x128xf32>
    %mul3A_16 = arith.mulf %mul3A_15, %add3A_12 : vector<1024x128xf32>
    %select_n3A = arith.select %ge3A_14, %add3A_12, %mul3A_16 : vector<1024x128xi1>, vector<1024x128xf32>
    %swap3A = arith.constant 0 : index
    %swap3A_17 = arith.constant 0 : index
    %swap3A_18 = arith.constant 0 : index
    %swap3A_19 = vector.load %arg7[%swap3A, %swap3A_17, %swap3A_18] : memref<1x1024x128xf32, #tpu.memory_space<vmem>>, vector<1x1024x128xf32>
    %swap3A_20 = vector.shape_cast %swap3A_19 : vector<1x1024x128xf32> to vector<1024x128xf32>
    %swap3A_21 = vector.shape_cast %select_n3A : vector<1024x128xf32> to vector<1x1024x128xf32>
    tpu.vector_store %arg7[%swap3A, %swap3A_17, %swap3A_18], %swap3A_21 {strides = array<i32>} : memref<1x1024x128xf32, #tpu.memory_space<vmem>>, vector<1x1024x128xf32>,
    %get3A_22 = arith.constant 0 : index
    %get3A_23 = arith.constant 0 : index
    %get3A_24 = vector.load %arg5[%get3A_22, %get3A_23] : memref<128x256xf32, #tpu.memory_space<vmem>>, vector<128x256xf32>
    %dot_general3A_25 = arith.constant dense<0.000000e+00> : vector<1024x256xf32>
    %dot_general3A_26 = tpu.matmul %select_n3A, %get3A_24, %dot_general3A_25 {dimension_numbers = #tpu.dot_dimension_numbers<[1], [0], [0], [1], [0, 0, 1, 1], [], []>, transpose_lhs_hint = false} : vector<1024x128xf32>, vector<128x256xf32>, vector<1024x256xf32> -> vector<1024x256xf32>
    %get3A_27 = arith.constant 0 : index
    %get3A_28 = vector.load %arg6[%get3A_27] : memref<256xf32, #tpu.memory_space<vmem>>, vector<256xf32>
    %broadcast_in_dim3A_29 = vector.shape_cast %get3A_28 : vector<256xf32> to vector<1x256xf32>
    %add3A_30 = vector.broadcast %broadcast_in_dim3A_29 : vector<1x256xf32> to vector<1024x256xf32>
    %add3A_31 = arith.addf %dot_general3A_26, %add3A_30 : vector<1024x256xf32>
    %ge3A_32 = arith.constant 0.000000e+00 : f32
    %ge3A_33 = vector.broadcast %ge3A_32 : f32 to vector<1024x256xf32>
    %ge3A_34 = arith.cmpf oge, %add3A_31, %ge3A_33 : vector<1024x256xf32>
    %mul3A_35 = arith.constant 2.000000e-01 : f32
    %mul3A_36 = vector.broadcast %mul3A_35 : f32 to vector<1024x256xf32>
    %mul3A_37 = arith.mulf %mul3A_36, %add3A_31 : vector<1024x256xf32>
    %select_n3A_38 = arith.select %ge3A_34, %add3A_31, %mul3A_37 : vector<1024x256xi1>, vector<1024x256xf32>
    %reduce_max3A = arith.constant dense<0xFF800000> : vector<256xf32>
    %reduce_max3A_39 = vector.multi_reduction <maximumf>, %select_n3A_38, %reduce_max3A [0] : vector<1024x256xf32> to vector<256xf32>
    %broadcast_in_dim3A_40 = vector.shape_cast %reduce_max3A_39 : vector<256xf32> to vector<1x256xf32>
    %eq3A = arith.constant 0 : i32
    %eq3A_41 = arith.cmpi eq, %arg1, %eq3A : i32
    %convert_element_type3A = arith.extui %eq3A_41 : i1 to i32
    %cond3A = arith.constant 0 : i32
    %cond3A_42 = arith.cmpi ne, %convert_element_type3A, %cond3A : i32
    scf.if %cond3A_42 {
      %broadcast_in_dim3A_60 = arith.constant 0xFF800000 : f32
      %broadcast_in_dim3A_61 = vector.broadcast %broadcast_in_dim3A_60 : f32 to vector<1x1x256xf32>
      %swap3A_62 = arith.constant 0 : index
      %swap3A_63 = arith.constant 0 : index
      %swap3A_64 = arith.constant 0 : index
      %swap3A_65 = vector.load %arg8[%swap3A_62, %swap3A_63, %swap3A_64] : memref<1x1x256xf32, #tpu.memory_space<vmem>>, vector<1x1x256xf32>
      tpu.vector_store %arg8[%swap3A_62, %swap3A_63, %swap3A_64], %broadcast_in_dim3A_61 {strides = array<i32>} : memref<1x1x256xf32, #tpu.memory_space<vmem>>, vector<1x1x256xf32>,
    } else {
    }
    %get3A_43 = arith.constant 0 : index
    %get3A_44 = arith.constant 0 : index
    %get3A_45 = arith.constant 0 : index
    %get3A_46 = vector.load %arg8[%get3A_43, %get3A_44, %get3A_45] : memref<1x1x256xf32, #tpu.memory_space<vmem>>, vector<1x1x256xf32>
    %get3A_47 = vector.shape_cast %get3A_46 : vector<1x1x256xf32> to vector<1x256xf32>
    %max3A = arith.maximumf %get3A_47, %broadcast_in_dim3A_40 : vector<1x256xf32>
    %swap3A_48 = arith.constant 0 : index
    %swap3A_49 = arith.constant 0 : index
    %swap3A_50 = arith.constant 0 : index
    %swap3A_51 = vector.load %arg8[%swap3A_48, %swap3A_49, %swap3A_50] : memref<1x1x256xf32, #tpu.memory_space<vmem>>, vector<1x1x256xf32>
    %swap3A_52 = vector.shape_cast %swap3A_51 : vector<1x1x256xf32> to vector<1x256xf32>
    %swap3A_53 = vector.shape_cast %max3A : vector<1x256xf32> to vector<1x1x256xf32>
    tpu.vector_store %arg8[%swap3A_48, %swap3A_49, %swap3A_50], %swap3A_53 {strides = array<i32>} : memref<1x1x256xf32, #tpu.memory_space<vmem>>, vector<1x1x256xf32>,
    %transpose3A = tpu.transpose %concatenate3A, [1, 0] : vector<1024x4xf32> -> vector<4x1024xf32>
    %swap3A_54 = arith.constant 0 : index
    %swap3A_55 = arith.constant 0 : index
    %swap3A_56 = arith.constant 0 : index
    %swap3A_57 = vector.load %arg9[%swap3A_54, %swap3A_55, %swap3A_56] : memref<1x4x1024xf32, #tpu.memory_space<vmem>>, vector<1x4x1024xf32>
    %swap3A_58 = vector.shape_cast %swap3A_57 : vector<1x4x1024xf32> to vector<4x1024xf32>
    %swap3A_59 = vector.shape_cast %transpose3A : vector<4x1024xf32> to vector<1x4x1024xf32>
    tpu.vector_store %arg9[%swap3A_54, %swap3A_55, %swap3A_56], %swap3A_59 {strides = array<i32>} : memref<1x4x1024xf32, #tpu.memory_space<vmem>>, vector<1x4x1024xf32>,
    return
  }
  func.func @transform_0(%arg0: i32, %arg1: i32) -> (i32, i32, i32) {
    %c0_i32 = arith.constant 0 : i32
    %c0_i32_0 = arith.constant 0 : i32
    return %arg0, %arg1, %c0_i32 : i32, i32, i32
  }
  func.func @transform_1(%arg0: i32, %arg1: i32) -> (i32, i32) {
    %c0_i32 = arith.constant 0 : i32
    %c0_i32_0 = arith.constant 0 : i32
    %c0_i32_1 = arith.constant 0 : i32
    return %c0_i32, %c0_i32_0 : i32, i32
  }
  func.func @transform_2(%arg0: i32, %arg1: i32) -> i32 {
    %c0_i32 = arith.constant 0 : i32
    %c0_i32_0 = arith.constant 0 : i32
    return %c0_i32 : i32
  }
  func.func @transform_3(%arg0: i32, %arg1: i32) -> (i32, i32) {
    %c0_i32 = arith.constant 0 : i32
    %c0_i32_0 = arith.constant 0 : i32
    %c0_i32_1 = arith.constant 0 : i32
    return %c0_i32, %c0_i32_0 : i32, i32
  }
  func.func @transform_4(%arg0: i32, %arg1: i32) -> i32 {
    %c0_i32 = arith.constant 0 : i32
    %c0_i32_0 = arith.constant 0 : i32
    return %c0_i32 : i32
  }
  func.func @transform_5(%arg0: i32, %arg1: i32) -> (i32, i32, i32) {
    %c0_i32 = arith.constant 0 : i32
    %c0_i32_0 = arith.constant 0 : i32
    return %arg0, %arg1, %c0_i32 : i32, i32, i32
  }
  func.func @transform_6(%arg0: i32, %arg1: i32) -> (i32, i32, i32) {
    %c0_i32 = arith.constant 0 : i32
    %c0_i32_0 = arith.constant 0 : i32
    %c0_i32_1 = arith.constant 0 : i32
    return %arg0, %c0_i32, %c0_i32_0 : i32, i32, i32
  }
  func.func @transform_7(%arg0: i32, %arg1: i32) -> (i32, i32, i32) {
    %c0_i32 = arith.constant 0 : i32
    %c0_i32_0 = arith.constant 0 : i32
    return %arg0, %c0_i32, %arg1 : i32, i32, i32
  }
}

module attributes {stable_mosaic.version = 14 : i64} {
  func.func @_k2_body(%arg0: i32, %arg1: i32, %arg2: i32, %arg3: memref<1x512x3xf32, #tpu.memory_space<vmem>>, %arg4: memref<1x4x512xf32, #tpu.memory_space<vmem>>, %arg5: memref<1x512x512xf32, #tpu.memory_space<vmem>>) attributes {dimension_semantics = [#tpu.dimension_semantics<arbitrary>, #tpu.dimension_semantics<arbitrary>, #tpu.dimension_semantics<arbitrary>], iteration_bounds = array<i64: 4, 4, 16>, scalar_prefetch = 0 : i64, scratch_operands = 0 : i64, tpu.core_type = #tpu.core_type<tc>, window_params = [{transform_indices = @transform_0, window_bounds = array<i64: 1, 512, 3>}, {transform_indices = @transform_1, window_bounds = array<i64: 1, 4, 512>}, {transform_indices = @transform_2, window_bounds = array<i64: 1, 512, 512>}]} {
    %get3A = arith.constant 0 : index
    %get3A_0 = arith.constant 0 : index
    %get3A_1 = arith.constant 0 : index
    %get3A_2 = vector.load %arg3[%get3A, %get3A_0, %get3A_1] : memref<1x512x3xf32, #tpu.memory_space<vmem>>, vector<1x512x3xf32>
    %get3A_3 = vector.shape_cast %get3A_2 : vector<1x512x3xf32> to vector<512x3xf32>
    %get3A_4 = arith.constant 0 : index
    %get3A_5 = arith.constant 0 : index
    %get3A_6 = arith.constant 0 : index
    %get3A_7 = vector.load %arg4[%get3A_4, %get3A_5, %get3A_6] : memref<1x4x512xf32, #tpu.memory_space<vmem>>, vector<1x4x512xf32>
    %get3A_8 = vector.shape_cast %get3A_7 : vector<1x4x512xf32> to vector<4x512xf32>
    %broadcast_in_dim3A = arith.constant 0.000000e+00 : f32
    %broadcast_in_dim3A_9 = vector.broadcast %broadcast_in_dim3A : f32 to vector<512x1xf32>
    %concatenate3A = tpu.concatenate %get3A_3, %broadcast_in_dim3A_9 in 1 : vector<512x3xf32>, vector<512x1xf32> -> vector<512x4xf32>
    %mul3A = arith.mulf %get3A_8, %get3A_8 : vector<4x512xf32>
    %reduce_sum3A = arith.constant dense<0.000000e+00> : vector<512xf32>
    %reduce_sum3A_10 = vector.multi_reduction <add>, %mul3A, %reduce_sum3A [0] : vector<4x512xf32> to vector<512xf32>
    %broadcast_in_dim3A_11 = vector.shape_cast %reduce_sum3A_10 : vector<512xf32> to vector<1x512xf32>
    %dot_general3A = arith.constant dense<0.000000e+00> : vector<512x512xf32>
    %dot_general3A_12 = tpu.matmul %concatenate3A, %get3A_8, %dot_general3A {dimension_numbers = #tpu.dot_dimension_numbers<[1], [0], [0], [1], [0, 0, 1, 1], [], []>, transpose_lhs_hint = false} : vector<512x4xf32>, vector<4x512xf32>, vector<512x512xf32> -> vector<512x512xf32>
    %mul3A_13 = arith.constant 2.000000e+00 : f32
    %mul3A_14 = vector.broadcast %mul3A_13 : f32 to vector<512x512xf32>
    %mul3A_15 = arith.mulf %mul3A_14, %dot_general3A_12 : vector<512x512xf32>
    %sub3A = vector.broadcast %broadcast_in_dim3A_11 : vector<1x512xf32> to vector<512x512xf32>
    %sub3A_16 = arith.subf %sub3A, %mul3A_15 : vector<512x512xf32>
    %eq3A = arith.constant 0 : i32
    %eq3A_17 = arith.cmpi eq, %arg2, %eq3A : i32
    %convert_element_type3A = arith.extui %eq3A_17 : i1 to i32
    %cond3A = arith.constant 0 : i32
    %cond3A_18 = arith.cmpi ne, %convert_element_type3A, %cond3A : i32
    scf.if %cond3A_18 {
      %broadcast_in_dim3A_29 = arith.constant 0x7F800000 : f32
      %broadcast_in_dim3A_30 = vector.broadcast %broadcast_in_dim3A_29 : f32 to vector<512x512xf32>
      %swap3A_31 = arith.constant 0 : index
      %swap3A_32 = arith.constant 0 : index
      %swap3A_33 = arith.constant 0 : index
      %swap3A_34 = vector.load %arg5[%swap3A_31, %swap3A_32, %swap3A_33] : memref<1x512x512xf32, #tpu.memory_space<vmem>>, vector<1x512x512xf32>
      %swap3A_35 = vector.shape_cast %swap3A_34 : vector<1x512x512xf32> to vector<512x512xf32>
      %swap3A_36 = vector.shape_cast %broadcast_in_dim3A_30 : vector<512x512xf32> to vector<1x512x512xf32>
      tpu.vector_store %arg5[%swap3A_31, %swap3A_32, %swap3A_33], %swap3A_36 {strides = array<i32>} : memref<1x512x512xf32, #tpu.memory_space<vmem>>, vector<1x512x512xf32>,
    } else {
    }
    %get3A_19 = arith.constant 0 : index
    %get3A_20 = arith.constant 0 : index
    %get3A_21 = arith.constant 0 : index
    %get3A_22 = vector.load %arg5[%get3A_19, %get3A_20, %get3A_21] : memref<1x512x512xf32, #tpu.memory_space<vmem>>, vector<1x512x512xf32>
    %get3A_23 = vector.shape_cast %get3A_22 : vector<1x512x512xf32> to vector<512x512xf32>
    %min3A = arith.minimumf %get3A_23, %sub3A_16 : vector<512x512xf32>
    %swap3A = arith.constant 0 : index
    %swap3A_24 = arith.constant 0 : index
    %swap3A_25 = arith.constant 0 : index
    %swap3A_26 = vector.load %arg5[%swap3A, %swap3A_24, %swap3A_25] : memref<1x512x512xf32, #tpu.memory_space<vmem>>, vector<1x512x512xf32>
    %swap3A_27 = vector.shape_cast %swap3A_26 : vector<1x512x512xf32> to vector<512x512xf32>
    %swap3A_28 = vector.shape_cast %min3A : vector<512x512xf32> to vector<1x512x512xf32>
    tpu.vector_store %arg5[%swap3A, %swap3A_24, %swap3A_25], %swap3A_28 {strides = array<i32>} : memref<1x512x512xf32, #tpu.memory_space<vmem>>, vector<1x512x512xf32>,
    return
  }
  func.func @transform_0(%arg0: i32, %arg1: i32, %arg2: i32) -> (i32, i32, i32) {
    %c0_i32 = arith.constant 0 : i32
    %c0_i32_0 = arith.constant 0 : i32
    return %arg0, %arg1, %c0_i32 : i32, i32, i32
  }
  func.func @transform_1(%arg0: i32, %arg1: i32, %arg2: i32) -> (i32, i32, i32) {
    %c0_i32 = arith.constant 0 : i32
    %c0_i32_0 = arith.constant 0 : i32
    return %arg0, %c0_i32, %arg2 : i32, i32, i32
  }
  func.func @transform_2(%arg0: i32, %arg1: i32, %arg2: i32) -> (i32, i32, i32) {
    %c0_i32 = arith.constant 0 : i32
    %c0_i32_0 = arith.constant 0 : i32
    return %arg0, %arg1, %c0_i32 : i32, i32, i32
  }
}

module attributes {stable_mosaic.version = 14 : i64} {
  func.func @_k3_body(%arg0: memref<4x2048x3xf32, #tpu.memory_space<vmem>>, %arg1: memref<4x32x4096xf32, #tpu.memory_space<vmem>>, %arg2: memref<4x2048x3xf32, #tpu.memory_space<vmem>>, %arg3: memref<4x128xf32, #tpu.memory_space<vmem>>, %arg4: memref<128xf32, #tpu.memory_space<vmem>>, %arg5: memref<128x256xf32, #tpu.memory_space<vmem>>, %arg6: memref<256xf32, #tpu.memory_space<vmem>>, %arg7: memref<32x64xf32, #tpu.memory_space<vmem>>, %arg8: memref<64xf32, #tpu.memory_space<vmem>>, %arg9: memref<4x128xf32, #tpu.memory_space<vmem>>, %arg10: memref<128xf32, #tpu.memory_space<vmem>>, %arg11: memref<128xf32, #tpu.memory_space<vmem>>, %arg12: memref<128xf32, #tpu.memory_space<vmem>>, %arg13: memref<4x1x256xf32, #tpu.memory_space<vmem>>, %arg14: memref<4x1x64xf32, #tpu.memory_space<vmem>>, %arg15: memref<4x2048x128xf32, #tpu.memory_space<vmem>>, %arg16: memref<4x4x2048xf32, #tpu.memory_space<vmem>>) attributes {dimension_semantics = [], scalar_prefetch = 0 : i64, scratch_operands = 0 : i64, tpu.core_type = #tpu.core_type<tc>} {
    %get3A = arith.constant 0 : index
    %get3A_0 = arith.constant 0 : index
    %get3A_1 = arith.constant 0 : index
    %get3A_2 = vector.load %arg0[%get3A, %get3A_0, %get3A_1] : memref<4x2048x3xf32, #tpu.memory_space<vmem>>, vector<4x2048x3xf32>
    %reshape3A = vector.shape_cast %get3A_2 : vector<4x2048x3xf32> to vector<8192x3xf32>
    %broadcast_in_dim3A = arith.constant 0.000000e+00 : f32
    %broadcast_in_dim3A_3 = vector.broadcast %broadcast_in_dim3A : f32 to vector<8192x1xf32>
    %concatenate3A = tpu.concatenate %reshape3A, %broadcast_in_dim3A_3 in 1 : vector<8192x3xf32>, vector<8192x1xf32> -> vector<8192x4xf32>
    %get3A_4 = arith.constant 0 : index
    %get3A_5 = arith.constant 0 : index
    %get3A_6 = vector.load %arg3[%get3A_4, %get3A_5] : memref<4x128xf32, #tpu.memory_space<vmem>>, vector<4x128xf32>
    %dot_general3A = arith.constant dense<0.000000e+00> : vector<8192x128xf32>
    %dot_general3A_7 = tpu.matmul %concatenate3A, %get3A_6, %dot_general3A {dimension_numbers = #tpu.dot_dimension_numbers<[1], [0], [0], [1], [0, 0, 1, 1], [], []>, transpose_lhs_hint = false} : vector<8192x4xf32>, vector<4x128xf32>, vector<8192x128xf32> -> vector<8192x128xf32>
    %get3A_8 = arith.constant 0 : index
    %get3A_9 = vector.load %arg4[%get3A_8] : memref<128xf32, #tpu.memory_space<vmem>>, vector<128xf32>
    %broadcast_in_dim3A_10 = vector.shape_cast %get3A_9 : vector<128xf32> to vector<1x128xf32>
    %add3A = vector.broadcast %broadcast_in_dim3A_10 : vector<1x128xf32> to vector<8192x128xf32>
    %add3A_11 = arith.addf %dot_general3A_7, %add3A : vector<8192x128xf32>
    %ge3A = arith.constant 0.000000e+00 : f32
    %ge3A_12 = vector.broadcast %ge3A : f32 to vector<8192x128xf32>
    %ge3A_13 = arith.cmpf oge, %add3A_11, %ge3A_12 : vector<8192x128xf32>
    %mul3A = arith.constant 2.000000e-01 : f32
    %mul3A_14 = vector.broadcast %mul3A : f32 to vector<8192x128xf32>
    %mul3A_15 = arith.mulf %mul3A_14, %add3A_11 : vector<8192x128xf32>
    %select_n3A = arith.select %ge3A_13, %add3A_11, %mul3A_15 : vector<8192x128xi1>, vector<8192x128xf32>
    %get3A_16 = arith.constant 0 : index
    %get3A_17 = arith.constant 0 : index
    %get3A_18 = vector.load %arg5[%get3A_16, %get3A_17] : memref<128x256xf32, #tpu.memory_space<vmem>>, vector<128x256xf32>
    %dot_general3A_19 = arith.constant dense<0.000000e+00> : vector<8192x256xf32>
    %dot_general3A_20 = tpu.matmul %select_n3A, %get3A_18, %dot_general3A_19 {dimension_numbers = #tpu.dot_dimension_numbers<[1], [0], [0], [1], [0, 0, 1, 1], [], []>, transpose_lhs_hint = false} : vector<8192x128xf32>, vector<128x256xf32>, vector<8192x256xf32> -> vector<8192x256xf32>
    %get3A_21 = arith.constant 0 : index
    %get3A_22 = vector.load %arg6[%get3A_21] : memref<256xf32, #tpu.memory_space<vmem>>, vector<256xf32>
    %broadcast_in_dim3A_23 = vector.shape_cast %get3A_22 : vector<256xf32> to vector<1x256xf32>
    %add3A_24 = vector.broadcast %broadcast_in_dim3A_23 : vector<1x256xf32> to vector<8192x256xf32>
    %add3A_25 = arith.addf %dot_general3A_20, %add3A_24 : vector<8192x256xf32>
    %ge3A_26 = arith.constant 0.000000e+00 : f32
    %ge3A_27 = vector.broadcast %ge3A_26 : f32 to vector<8192x256xf32>
    %ge3A_28 = arith.cmpf oge, %add3A_25, %ge3A_27 : vector<8192x256xf32>
    %mul3A_29 = arith.constant 2.000000e-01 : f32
    %mul3A_30 = vector.broadcast %mul3A_29 : f32 to vector<8192x256xf32>
    %mul3A_31 = arith.mulf %mul3A_30, %add3A_25 : vector<8192x256xf32>
    %select_n3A_32 = arith.select %ge3A_28, %add3A_25, %mul3A_31 : vector<8192x256xi1>, vector<8192x256xf32>
    %reshape3A_33 = vector.shape_cast %select_n3A_32 : vector<8192x256xf32> to vector<4x2048x256xf32>
    %reduce_max3A = arith.constant dense<0xFF800000> : vector<4x256xf32>
    %reduce_max3A_34 = vector.multi_reduction <maximumf>, %reshape3A_33, %reduce_max3A [1] : vector<4x2048x256xf32> to vector<4x256xf32>
    %broadcast_in_dim3A_35 = vector.shape_cast %reduce_max3A_34 : vector<4x256xf32> to vector<4x1x256xf32>
    %swap3A = arith.constant 0 : index
    %swap3A_36 = arith.constant 0 : index
    %swap3A_37 = arith.constant 0 : index
    %swap3A_38 = vector.load %arg13[%swap3A, %swap3A_36, %swap3A_37] : memref<4x1x256xf32, #tpu.memory_space<vmem>>, vector<4x1x256xf32>
    tpu.vector_store %arg13[%swap3A, %swap3A_36, %swap3A_37], %broadcast_in_dim3A_35 {strides = array<i32>} : memref<4x1x256xf32, #tpu.memory_space<vmem>>, vector<4x1x256xf32>,
    %get3A_39 = arith.constant 0 : index
    %get3A_40 = arith.constant 0 : index
    %get3A_41 = vector.load %arg7[%get3A_39, %get3A_40] : memref<32x64xf32, #tpu.memory_space<vmem>>, vector<32x64xf32>
    %get3A_42 = arith.constant 0 : index
    %get3A_43 = arith.constant 0 : index
    %get3A_44 = arith.constant 0 : index
    %get3A_45 = vector.load %arg1[%get3A_42, %get3A_43, %get3A_44] : memref<4x32x4096xf32, #tpu.memory_space<vmem>>, vector<1x32x4096xf32>
    %get3A_46 = vector.shape_cast %get3A_45 : vector<1x32x4096xf32> to vector<32x4096xf32>
    %dot_general3A_47 = arith.constant dense<0.000000e+00> : vector<64x4096xf32>
    %dot_general3A_48 = tpu.matmul %get3A_41, %get3A_46, %dot_general3A_47 {dimension_numbers = #tpu.dot_dimension_numbers<[0], [0], [1], [1], [0, 1, 1, 1], [], []>, transpose_lhs_hint = false} : vector<32x64xf32>, vector<32x4096xf32>, vector<64x4096xf32> -> vector<64x4096xf32>
    %get3A_49 = arith.constant 0 : index
    %get3A_50 = vector.load %arg8[%get3A_49] : memref<64xf32, #tpu.memory_space<vmem>>, vector<64xf32>
    %broadcast_in_dim3A_51 = vector.shape_cast %get3A_50 : vector<64xf32> to vector<64x1xf32>
    %add3A_52 = vector.broadcast %broadcast_in_dim3A_51 : vector<64x1xf32> to vector<64x4096xf32>
    %add3A_53 = arith.addf %dot_general3A_48, %add3A_52 : vector<64x4096xf32>
    %ge3A_54 = arith.constant 0.000000e+00 : f32
    %ge3A_55 = vector.broadcast %ge3A_54 : f32 to vector<64x4096xf32>
    %ge3A_56 = arith.cmpf oge, %add3A_53, %ge3A_55 : vector<64x4096xf32>
    %mul3A_57 = arith.constant 2.000000e-01 : f32
    %mul3A_58 = vector.broadcast %mul3A_57 : f32 to vector<64x4096xf32>
    %mul3A_59 = arith.mulf %mul3A_58, %add3A_53 : vector<64x4096xf32>
    %select_n3A_60 = arith.select %ge3A_56, %add3A_53, %mul3A_59 : vector<64x4096xi1>, vector<64x4096xf32>
    %reduce_sum3A = arith.constant dense<0.000000e+00> : vector<64xf32>
    %reduce_sum3A_61 = vector.multi_reduction <add>, %select_n3A_60, %reduce_sum3A [1] : vector<64x4096xf32> to vector<64xf32>
    %div3A = arith.constant 4.096000e+03 : f32
    %div3A_62 = vector.broadcast %div3A : f32 to vector<64xf32>
    %div3A_63 = arith.divf %reduce_sum3A_61, %div3A_62 : vector<64xf32>
    %swap3A_64 = arith.constant 0 : index
    %swap3A_65 = arith.constant 0 : index
    %swap3A_66 = arith.constant 0 : index
    %swap3A_67 = vector.load %arg14[%swap3A_64, %swap3A_65, %swap3A_66] : memref<4x1x64xf32, #tpu.memory_space<vmem>>, vector<1x1x64xf32>
    %swap3A_68 = vector.shape_cast %swap3A_67 : vector<1x1x64xf32> to vector<64xf32>
    %swap3A_69 = vector.shape_cast %div3A_63 : vector<64xf32> to vector<1x1x64xf32>
    tpu.vector_store %arg14[%swap3A_64, %swap3A_65, %swap3A_66], %swap3A_69 {strides = array<i32>} : memref<4x1x64xf32, #tpu.memory_space<vmem>>, vector<1x1x64xf32>,
    %get3A_70 = arith.constant 1 : index
    %get3A_71 = arith.constant 0 : index
    %get3A_72 = arith.constant 0 : index
    %get3A_73 = vector.load %arg1[%get3A_70, %get3A_71, %get3A_72] : memref<4x32x4096xf32, #tpu.memory_space<vmem>>, vector<1x32x4096xf32>
    %get3A_74 = vector.shape_cast %get3A_73 : vector<1x32x4096xf32> to vector<32x4096xf32>
    %dot_general3A_75 = arith.constant dense<0.000000e+00> : vector<64x4096xf32>
    %dot_general3A_76 = tpu.matmul %get3A_41, %get3A_74, %dot_general3A_75 {dimension_numbers = #tpu.dot_dimension_numbers<[0], [0], [1], [1], [0, 1, 1, 1], [], []>, transpose_lhs_hint = false} : vector<32x64xf32>, vector<32x4096xf32>, vector<64x4096xf32> -> vector<64x4096xf32>
    %get3A_77 = arith.constant 0 : index
    %get3A_78 = vector.load %arg8[%get3A_77] : memref<64xf32, #tpu.memory_space<vmem>>, vector<64xf32>
    %broadcast_in_dim3A_79 = vector.shape_cast %get3A_78 : vector<64xf32> to vector<64x1xf32>
    %add3A_80 = vector.broadcast %broadcast_in_dim3A_79 : vector<64x1xf32> to vector<64x4096xf32>
    %add3A_81 = arith.addf %dot_general3A_76, %add3A_80 : vector<64x4096xf32>
    %ge3A_82 = arith.constant 0.000000e+00 : f32
    %ge3A_83 = vector.broadcast %ge3A_82 : f32 to vector<64x4096xf32>
    %ge3A_84 = arith.cmpf oge, %add3A_81, %ge3A_83 : vector<64x4096xf32>
    %mul3A_85 = arith.constant 2.000000e-01 : f32
    %mul3A_86 = vector.broadcast %mul3A_85 : f32 to vector<64x4096xf32>
    %mul3A_87 = arith.mulf %mul3A_86, %add3A_81 : vector<64x4096xf32>
    %select_n3A_88 = arith.select %ge3A_84, %add3A_81, %mul3A_87 : vector<64x4096xi1>, vector<64x4096xf32>
    %reduce_sum3A_89 = arith.constant dense<0.000000e+00> : vector<64xf32>
    %reduce_sum3A_90 = vector.multi_reduction <add>, %select_n3A_88, %reduce_sum3A_89 [1] : vector<64x4096xf32> to vector<64xf32>
    %div3A_91 = arith.constant 4.096000e+03 : f32
    %div3A_92 = vector.broadcast %div3A_91 : f32 to vector<64xf32>
    %div3A_93 = arith.divf %reduce_sum3A_90, %div3A_92 : vector<64xf32>
    %swap3A_94 = arith.constant 1 : index
    %swap3A_95 = arith.constant 0 : index
    %swap3A_96 = arith.constant 0 : index
    %swap3A_97 = vector.load %arg14[%swap3A_94, %swap3A_95, %swap3A_96] : memref<4x1x64xf32, #tpu.memory_space<vmem>>, vector<1x1x64xf32>
    %swap3A_98 = vector.shape_cast %swap3A_97 : vector<1x1x64xf32> to vector<64xf32>
    %swap3A_99 = vector.shape_cast %div3A_93 : vector<64xf32> to vector<1x1x64xf32>
    tpu.vector_store %arg14[%swap3A_94, %swap3A_95, %swap3A_96], %swap3A_99 {strides = array<i32>} : memref<4x1x64xf32, #tpu.memory_space<vmem>>, vector<1x1x64xf32>,
    %get3A_100 = arith.constant 2 : index
    %get3A_101 = arith.constant 0 : index
    %get3A_102 = arith.constant 0 : index
    %get3A_103 = vector.load %arg1[%get3A_100, %get3A_101, %get3A_102] : memref<4x32x4096xf32, #tpu.memory_space<vmem>>, vector<1x32x4096xf32>
    %get3A_104 = vector.shape_cast %get3A_103 : vector<1x32x4096xf32> to vector<32x4096xf32>
    %dot_general3A_105 = arith.constant dense<0.000000e+00> : vector<64x4096xf32>
    %dot_general3A_106 = tpu.matmul %get3A_41, %get3A_104, %dot_general3A_105 {dimension_numbers = #tpu.dot_dimension_numbers<[0], [0], [1], [1], [0, 1, 1, 1], [], []>, transpose_lhs_hint = false} : vector<32x64xf32>, vector<32x4096xf32>, vector<64x4096xf32> -> vector<64x4096xf32>
    %get3A_107 = arith.constant 0 : index
    %get3A_108 = vector.load %arg8[%get3A_107] : memref<64xf32, #tpu.memory_space<vmem>>, vector<64xf32>
    %broadcast_in_dim3A_109 = vector.shape_cast %get3A_108 : vector<64xf32> to vector<64x1xf32>
    %add3A_110 = vector.broadcast %broadcast_in_dim3A_109 : vector<64x1xf32> to vector<64x4096xf32>
    %add3A_111 = arith.addf %dot_general3A_106, %add3A_110 : vector<64x4096xf32>
    %ge3A_112 = arith.constant 0.000000e+00 : f32
    %ge3A_113 = vector.broadcast %ge3A_112 : f32 to vector<64x4096xf32>
    %ge3A_114 = arith.cmpf oge, %add3A_111, %ge3A_113 : vector<64x4096xf32>
    %mul3A_115 = arith.constant 2.000000e-01 : f32
    %mul3A_116 = vector.broadcast %mul3A_115 : f32 to vector<64x4096xf32>
    %mul3A_117 = arith.mulf %mul3A_116, %add3A_111 : vector<64x4096xf32>
    %select_n3A_118 = arith.select %ge3A_114, %add3A_111, %mul3A_117 : vector<64x4096xi1>, vector<64x4096xf32>
    %reduce_sum3A_119 = arith.constant dense<0.000000e+00> : vector<64xf32>
    %reduce_sum3A_120 = vector.multi_reduction <add>, %select_n3A_118, %reduce_sum3A_119 [1] : vector<64x4096xf32> to vector<64xf32>
    %div3A_121 = arith.constant 4.096000e+03 : f32
    %div3A_122 = vector.broadcast %div3A_121 : f32 to vector<64xf32>
    %div3A_123 = arith.divf %reduce_sum3A_120, %div3A_122 : vector<64xf32>
    %swap3A_124 = arith.constant 2 : index
    %swap3A_125 = arith.constant 0 : index
    %swap3A_126 = arith.constant 0 : index
    %swap3A_127 = vector.load %arg14[%swap3A_124, %swap3A_125, %swap3A_126] : memref<4x1x64xf32, #tpu.memory_space<vmem>>, vector<1x1x64xf32>
    %swap3A_128 = vector.shape_cast %swap3A_127 : vector<1x1x64xf32> to vector<64xf32>
    %swap3A_129 = vector.shape_cast %div3A_123 : vector<64xf32> to vector<1x1x64xf32>
    tpu.vector_store %arg14[%swap3A_124, %swap3A_125, %swap3A_126], %swap3A_129 {strides = array<i32>} : memref<4x1x64xf32, #tpu.memory_space<vmem>>, vector<1x1x64xf32>,
    %get3A_130 = arith.constant 3 : index
    %get3A_131 = arith.constant 0 : index
    %get3A_132 = arith.constant 0 : index
    %get3A_133 = vector.load %arg1[%get3A_130, %get3A_131, %get3A_132] : memref<4x32x4096xf32, #tpu.memory_space<vmem>>, vector<1x32x4096xf32>
    %get3A_134 = vector.shape_cast %get3A_133 : vector<1x32x4096xf32> to vector<32x4096xf32>
    %dot_general3A_135 = arith.constant dense<0.000000e+00> : vector<64x4096xf32>
    %dot_general3A_136 = tpu.matmul %get3A_41, %get3A_134, %dot_general3A_135 {dimension_numbers = #tpu.dot_dimension_numbers<[0], [0], [1], [1], [0, 1, 1, 1], [], []>, transpose_lhs_hint = false} : vector<32x64xf32>, vector<32x4096xf32>, vector<64x4096xf32> -> vector<64x4096xf32>
    %get3A_137 = arith.constant 0 : index
    %get3A_138 = vector.load %arg8[%get3A_137] : memref<64xf32, #tpu.memory_space<vmem>>, vector<64xf32>
    %broadcast_in_dim3A_139 = vector.shape_cast %get3A_138 : vector<64xf32> to vector<64x1xf32>
    %add3A_140 = vector.broadcast %broadcast_in_dim3A_139 : vector<64x1xf32> to vector<64x4096xf32>
    %add3A_141 = arith.addf %dot_general3A_136, %add3A_140 : vector<64x4096xf32>
    %ge3A_142 = arith.constant 0.000000e+00 : f32
    %ge3A_143 = vector.broadcast %ge3A_142 : f32 to vector<64x4096xf32>
    %ge3A_144 = arith.cmpf oge, %add3A_141, %ge3A_143 : vector<64x4096xf32>
    %mul3A_145 = arith.constant 2.000000e-01 : f32
    %mul3A_146 = vector.broadcast %mul3A_145 : f32 to vector<64x4096xf32>
    %mul3A_147 = arith.mulf %mul3A_146, %add3A_141 : vector<64x4096xf32>
    %select_n3A_148 = arith.select %ge3A_144, %add3A_141, %mul3A_147 : vector<64x4096xi1>, vector<64x4096xf32>
    %reduce_sum3A_149 = arith.constant dense<0.000000e+00> : vector<64xf32>
    %reduce_sum3A_150 = vector.multi_reduction <add>, %select_n3A_148, %reduce_sum3A_149 [1] : vector<64x4096xf32> to vector<64xf32>
    %div3A_151 = arith.constant 4.096000e+03 : f32
    %div3A_152 = vector.broadcast %div3A_151 : f32 to vector<64xf32>
    %div3A_153 = arith.divf %reduce_sum3A_150, %div3A_152 : vector<64xf32>
    %swap3A_154 = arith.constant 3 : index
    %swap3A_155 = arith.constant 0 : index
    %swap3A_156 = arith.constant 0 : index
    %swap3A_157 = vector.load %arg14[%swap3A_154, %swap3A_155, %swap3A_156] : memref<4x1x64xf32, #tpu.memory_space<vmem>>, vector<1x1x64xf32>
    %swap3A_158 = vector.shape_cast %swap3A_157 : vector<1x1x64xf32> to vector<64xf32>
    %swap3A_159 = vector.shape_cast %div3A_153 : vector<64xf32> to vector<1x1x64xf32>
    tpu.vector_store %arg14[%swap3A_154, %swap3A_155, %swap3A_156], %swap3A_159 {strides = array<i32>} : memref<4x1x64xf32, #tpu.memory_space<vmem>>, vector<1x1x64xf32>,
    %get3A_160 = arith.constant 0 : index
    %get3A_161 = arith.constant 0 : index
    %get3A_162 = arith.constant 0 : index
    %get3A_163 = vector.load %arg2[%get3A_160, %get3A_161, %get3A_162] : memref<4x2048x3xf32, #tpu.memory_space<vmem>>, vector<4x2048x3xf32>
    %reshape3A_164 = vector.shape_cast %get3A_163 : vector<4x2048x3xf32> to vector<8192x3xf32>
    %broadcast_in_dim3A_165 = arith.constant 0.000000e+00 : f32
    %broadcast_in_dim3A_166 = vector.broadcast %broadcast_in_dim3A_165 : f32 to vector<8192x1xf32>
    %concatenate3A_167 = tpu.concatenate %reshape3A_164, %broadcast_in_dim3A_166 in 1 : vector<8192x3xf32>, vector<8192x1xf32> -> vector<8192x4xf32>
    %get3A_168 = arith.constant 0 : index
    %get3A_169 = arith.constant 0 : index
    %get3A_170 = vector.load %arg9[%get3A_168, %get3A_169] : memref<4x128xf32, #tpu.memory_space<vmem>>, vector<4x128xf32>
    %dot_general3A_171 = arith.constant dense<0.000000e+00> : vector<8192x128xf32>
    %dot_general3A_172 = tpu.matmul %concatenate3A_167, %get3A_170, %dot_general3A_171 {dimension_numbers = #tpu.dot_dimension_numbers<[1], [0], [0], [1], [0, 0, 1, 1], [], []>, transpose_lhs_hint = false} : vector<8192x4xf32>, vector<4x128xf32>, vector<8192x128xf32> -> vector<8192x128xf32>
    %get3A_173 = arith.constant 0 : index
    %get3A_174 = vector.load %arg10[%get3A_173] : memref<128xf32, #tpu.memory_space<vmem>>, vector<128xf32>
    %broadcast_in_dim3A_175 = vector.shape_cast %get3A_174 : vector<128xf32> to vector<1x128xf32>
    %add3A_176 = vector.broadcast %broadcast_in_dim3A_175 : vector<1x128xf32> to vector<8192x128xf32>
    %add3A_177 = arith.addf %dot_general3A_172, %add3A_176 : vector<8192x128xf32>
    %reduce_sum3A_178 = arith.constant dense<0.000000e+00> : vector<4xf32>
    %reduce_sum3A_179 = vector.multi_reduction <add>, %concatenate3A_167, %reduce_sum3A_178 [0] : vector<8192x4xf32> to vector<4xf32>
    %broadcast_in_dim3A_180 = vector.shape_cast %reduce_sum3A_179 : vector<4xf32> to vector<1x4xf32>
    %div3A_181 = arith.constant 8.192000e+03 : f32
    %div3A_182 = vector.broadcast %div3A_181 : f32 to vector<1x4xf32>
    %div3A_183 = arith.divf %broadcast_in_dim3A_180, %div3A_182 : vector<1x4xf32>
    %dot_general3A_184 = arith.constant dense<0.000000e+00> : vector<4x4xf32>
    %dot_general3A_185 = tpu.matmul %concatenate3A_167, %concatenate3A_167, %dot_general3A_184 {dimension_numbers = #tpu.dot_dimension_numbers<[0], [0], [1], [1], [0, 1, 1, 1], [], []>, transpose_lhs_hint = false} : vector<8192x4xf32>, vector<8192x4xf32>, vector<4x4xf32> -> vector<4x4xf32>
    %div3A_186 = arith.constant 8.192000e+03 : f32
    %div3A_187 = vector.broadcast %div3A_186 : f32 to vector<4x4xf32>
    %div3A_188 = arith.divf %dot_general3A_185, %div3A_187 : vector<4x4xf32>
    %dot_general3A_189 = arith.constant dense<0.000000e+00> : vector<4x4xf32>
    %dot_general3A_190 = tpu.matmul %div3A_183, %div3A_183, %dot_general3A_189 {dimension_numbers = #tpu.dot_dimension_numbers<[0], [0], [1], [1], [0, 1, 1, 1], [], []>, transpose_lhs_hint = false} : vector<1x4xf32>, vector<1x4xf32>, vector<4x4xf32> -> vector<4x4xf32>
    %sub3A = arith.subf %div3A_188, %dot_general3A_190 : vector<4x4xf32>
    %get3A_191 = arith.constant 0 : index
    %get3A_192 = arith.constant 0 : index
    %get3A_193 = vector.load %arg9[%get3A_191, %get3A_192] : memref<4x128xf32, #tpu.memory_space<vmem>>, vector<4x128xf32>
    %dot_general3A_194 = arith.constant dense<0.000000e+00> : vector<4x128xf32>
    %dot_general3A_195 = tpu.matmul %sub3A, %get3A_193, %dot_general3A_194 {dimension_numbers = #tpu.dot_dimension_numbers<[1], [0], [0], [1], [0, 0, 1, 1], [], []>, transpose_lhs_hint = false} : vector<4x4xf32>, vector<4x128xf32>, vector<4x128xf32> -> vector<4x128xf32>
    %mul3A_196 = arith.mulf %get3A_193, %dot_general3A_195 : vector<4x128xf32>
    %reduce_sum3A_197 = arith.constant dense<0.000000e+00> : vector<128xf32>
    %reduce_sum3A_198 = vector.multi_reduction <add>, %mul3A_196, %reduce_sum3A_197 [0] : vector<4x128xf32> to vector<128xf32>
    %dot_general3A_199 = arith.constant dense<0.000000e+00> : vector<1x128xf32>
    %dot_general3A_200 = tpu.matmul %div3A_183, %get3A_193, %dot_general3A_199 {dimension_numbers = #tpu.dot_dimension_numbers<[1], [0], [0], [1], [0, 0, 1, 1], [], []>, transpose_lhs_hint = false} : vector<1x4xf32>, vector<4x128xf32>, vector<1x128xf32> -> vector<1x128xf32>
    %squeeze3A = vector.shape_cast %dot_general3A_200 : vector<1x128xf32> to vector<128xf32>
    %get3A_201 = arith.constant 0 : index
    %get3A_202 = vector.load %arg10[%get3A_201] : memref<128xf32, #tpu.memory_space<vmem>>, vector<128xf32>
    %add3A_203 = arith.addf %squeeze3A, %get3A_202 : vector<128xf32>
    %get3A_204 = arith.constant 0 : index
    %get3A_205 = vector.load %arg11[%get3A_204] : memref<128xf32, #tpu.memory_space<vmem>>, vector<128xf32>
    %add3A_206 = arith.constant 9.99999974E-6 : f32
    %add3A_207 = vector.broadcast %add3A_206 : f32 to vector<128xf32>
    %add3A_208 = arith.addf %reduce_sum3A_198, %add3A_207 : vector<128xf32>
    %sqrt3A = math.sqrt %add3A_208 : vector<128xf32>
    %div3A_209 = arith.divf %get3A_205, %sqrt3A : vector<128xf32>
    %broadcast_in_dim3A_210 = vector.shape_cast %add3A_203 : vector<128xf32> to vector<1x128xf32>
    %sub3A_211 = vector.broadcast %broadcast_in_dim3A_210 : vector<1x128xf32> to vector<8192x128xf32>
    %sub3A_212 = arith.subf %add3A_177, %sub3A_211 : vector<8192x128xf32>
    %broadcast_in_dim3A_213 = vector.shape_cast %div3A_209 : vector<128xf32> to vector<1x128xf32>
    %mul3A_214 = vector.broadcast %broadcast_in_dim3A_213 : vector<1x128xf32> to vector<8192x128xf32>
    %mul3A_215 = arith.mulf %sub3A_212, %mul3A_214 : vector<8192x128xf32>
    %get3A_216 = arith.constant 0 : index
    %get3A_217 = vector.load %arg12[%get3A_216] : memref<128xf32, #tpu.memory_space<vmem>>, vector<128xf32>
    %broadcast_in_dim3A_218 = vector.shape_cast %get3A_217 : vector<128xf32> to vector<1x128xf32>
    %add3A_219 = vector.broadcast %broadcast_in_dim3A_218 : vector<1x128xf32> to vector<8192x128xf32>
    %add3A_220 = arith.addf %mul3A_215, %add3A_219 : vector<8192x128xf32>
    %ge3A_221 = arith.constant 0.000000e+00 : f32
    %ge3A_222 = vector.broadcast %ge3A_221 : f32 to vector<8192x128xf32>
    %ge3A_223 = arith.cmpf oge, %add3A_220, %ge3A_222 : vector<8192x128xf32>
    %mul3A_224 = arith.constant 2.000000e-01 : f32
    %mul3A_225 = vector.broadcast %mul3A_224 : f32 to vector<8192x128xf32>
    %mul3A_226 = arith.mulf %mul3A_225, %add3A_220 : vector<8192x128xf32>
    %select_n3A_227 = arith.select %ge3A_223, %add3A_220, %mul3A_226 : vector<8192x128xi1>, vector<8192x128xf32>
    %reshape3A_228 = vector.shape_cast %select_n3A_227 : vector<8192x128xf32> to vector<4x2048x128xf32>
    %swap3A_229 = arith.constant 0 : index
    %swap3A_230 = arith.constant 0 : index
    %swap3A_231 = arith.constant 0 : index
    %swap3A_232 = vector.load %arg15[%swap3A_229, %swap3A_230, %swap3A_231] : memref<4x2048x128xf32, #tpu.memory_space<vmem>>, vector<4x2048x128xf32>
    tpu.vector_store %arg15[%swap3A_229, %swap3A_230, %swap3A_231], %reshape3A_228 {strides = array<i32>} : memref<4x2048x128xf32, #tpu.memory_space<vmem>>, vector<4x2048x128xf32>,
    %reshape3A_233 = vector.shape_cast %concatenate3A_167 : vector<8192x4xf32> to vector<4x2048x4xf32>
    %transpose3A = tpu.transpose %reshape3A_233, [0, 2, 1] : vector<4x2048x4xf32> -> vector<4x4x2048xf32>
    %swap3A_234 = arith.constant 0 : index
    %swap3A_235 = arith.constant 0 : index
    %swap3A_236 = arith.constant 0 : index
    %swap3A_237 = vector.load %arg16[%swap3A_234, %swap3A_235, %swap3A_236] : memref<4x4x2048xf32, #tpu.memory_space<vmem>>, vector<4x4x2048xf32>
    tpu.vector_store %arg16[%swap3A_234, %swap3A_235, %swap3A_236], %transpose3A {strides = array<i32>} : memref<4x4x2048xf32, #tpu.memory_space<vmem>>, vector<4x4x2048xf32>,
    return
  }
}

module attributes {stable_mosaic.version = 14 : i64} {
  func.func @_k5_body(%arg0: i32, %arg1: i32, %arg2: memref<256x16x128xf32, #tpu.memory_space<vmem>>, %arg3: memref<256x16x4xf32, #tpu.memory_space<vmem>>, %arg4: memref<1x256x128xf32, #tpu.memory_space<vmem>>, %arg5: memref<1x1x256xf32, #tpu.memory_space<vmem>>, %arg6: memref<1x1x256xf32, #tpu.memory_space<vmem>>, %arg7: memref<1x1x64xf32, #tpu.memory_space<vmem>>, %arg8: memref<4x128xf32, #tpu.memory_space<vmem>>, %arg9: memref<128xf32, #tpu.memory_space<vmem>>, %arg10: memref<128x128xf32, #tpu.memory_space<vmem>>, %arg11: memref<128x128xf32, #tpu.memory_space<vmem>>, %arg12: memref<128x128xf32, #tpu.memory_space<vmem>>, %arg13: memref<256x256xf32, #tpu.memory_space<vmem>>, %arg14: memref<256x256xf32, #tpu.memory_space<vmem>>, %arg15: memref<128x256xf32, #tpu.memory_space<vmem>>, %arg16: memref<128x256xf32, #tpu.memory_space<vmem>>, %arg17: memref<64x256xf32, #tpu.memory_space<vmem>>, %arg18: memref<256xf32, #tpu.memory_space<vmem>>, %arg19: memref<256x1xf32, #tpu.memory_space<vmem>>, %arg20: memref<1xf32, #tpu.memory_space<vmem>>, %arg21: memref<1x1x256xf32, #tpu.memory_space<vmem>>) attributes {dimension_semantics = [#tpu.dimension_semantics<arbitrary>, #tpu.dimension_semantics<arbitrary>], iteration_bounds = array<i64: 4, 8>, scalar_prefetch = 0 : i64, scratch_operands = 0 : i64, tpu.core_type = #tpu.core_type<tc>, window_params = [{transform_indices = @transform_0, window_bounds = array<i64: 256, 16, 128>}, {transform_indices = @transform_1, window_bounds = array<i64: 256, 16, 4>}, {transform_indices = @transform_2, window_bounds = array<i64: 1, 256, 128>}, {transform_indices = @transform_3, window_bounds = array<i64: 1, 1, 256>}, {transform_indices = @transform_4, window_bounds = array<i64: 1, 1, 256>}, {transform_indices = @transform_5, window_bounds = array<i64: 1, 1, 64>}, {pipeline_mode = #tpu.pipeline_mode<synchronous>, transform_indices = @transform_6, window_bounds = array<i64: 4, 128>}, {pipeline_mode = #tpu.pipeline_mode<synchronous>, transform_indices = @transform_7, window_bounds = array<i64: 128>}, {pipeline_mode = #tpu.pipeline_mode<synchronous>, transform_indices = @transform_8, window_bounds = array<i64: 128, 128>}, {pipeline_mode = #tpu.pipeline_mode<synchronous>, transform_indices = @transform_9, window_bounds = array<i64: 128, 128>}, {pipeline_mode = #tpu.pipeline_mode<synchronous>, transform_indices = @transform_10, window_bounds = array<i64: 128, 128>}, {pipeline_mode = #tpu.pipeline_mode<synchronous>, transform_indices = @transform_11, window_bounds = array<i64: 256, 256>}, {pipeline_mode = #tpu.pipeline_mode<synchronous>, transform_indices = @transform_12, window_bounds = array<i64: 256, 256>}, {pipeline_mode = #tpu.pipeline_mode<synchronous>, transform_indices = @transform_13, window_bounds = array<i64: 128, 256>}, {pipeline_mode = #tpu.pipeline_mode<synchronous>, transform_indices = @transform_14, window_bounds = array<i64: 128, 256>}, {pipeline_mode = #tpu.pipeline_mode<synchronous>, transform_indices = @transform_15, window_bounds = array<i64: 64, 256>}, {pipeline_mode = #tpu.pipeline_mode<synchronous>, transform_indices = @transform_16, window_bounds = array<i64: 256>}, {pipeline_mode = #tpu.pipeline_mode<synchronous>, transform_indices = @transform_17, window_bounds = array<i64: 256, 1>}, {pipeline_mode = #tpu.pipeline_mode<synchronous>, transform_indices = @transform_18, window_bounds = array<i64: 1>}, {transform_indices = @transform_19, window_bounds = array<i64: 1, 1, 256>}]} {
    %get3A = arith.constant 0 : index
    %get3A_0 = arith.constant 0 : index
    %get3A_1 = arith.constant 0 : index
    %get3A_2 = vector.load %arg2[%get3A, %get3A_0, %get3A_1] : memref<256x16x128xf32, #tpu.memory_space<vmem>>, vector<256x16x128xf32>
    %reshape3A = vector.shape_cast %get3A_2 : vector<256x16x128xf32> to vector<4096x128xf32>
    %get3A_3 = arith.constant 0 : index
    %get3A_4 = arith.constant 0 : index
    %get3A_5 = arith.constant 0 : index
    %get3A_6 = vector.load %arg3[%get3A_3, %get3A_4, %get3A_5] : memref<256x16x4xf32, #tpu.memory_space<vmem>>, vector<256x16x4xf32>
    %reshape3A_7 = vector.shape_cast %get3A_6 : vector<256x16x4xf32> to vector<4096x4xf32>
    %get3A_8 = arith.constant 0 : index
    %get3A_9 = arith.constant 0 : index
    %get3A_10 = vector.load %arg8[%get3A_8, %get3A_9] : memref<4x128xf32, #tpu.memory_space<vmem>>, vector<4x128xf32>
    %dot_general3A = arith.constant dense<0.000000e+00> : vector<4096x128xf32>
    %dot_general3A_11 = tpu.matmul %reshape3A_7, %get3A_10, %dot_general3A {dimension_numbers = #tpu.dot_dimension_numbers<[1], [0], [0], [1], [0, 0, 1, 1], [], []>, transpose_lhs_hint = false} : vector<4096x4xf32>, vector<4x128xf32>, vector<4096x128xf32> -> vector<4096x128xf32>
    %get3A_12 = arith.constant 0 : index
    %get3A_13 = vector.load %arg9[%get3A_12] : memref<128xf32, #tpu.memory_space<vmem>>, vector<128xf32>
    %broadcast_in_dim3A = vector.shape_cast %get3A_13 : vector<128xf32> to vector<1x128xf32>
    %add3A = vector.broadcast %broadcast_in_dim3A : vector<1x128xf32> to vector<4096x128xf32>
    %add3A_14 = arith.addf %dot_general3A_11, %add3A : vector<4096x128xf32>
    %ge3A = arith.constant 0.000000e+00 : f32
    %ge3A_15 = vector.broadcast %ge3A : f32 to vector<4096x128xf32>
    %ge3A_16 = arith.cmpf oge, %add3A_14, %ge3A_15 : vector<4096x128xf32>
    %mul3A = arith.constant 2.000000e-01 : f32
    %mul3A_17 = vector.broadcast %mul3A : f32 to vector<4096x128xf32>
    %mul3A_18 = arith.mulf %mul3A_17, %add3A_14 : vector<4096x128xf32>
    %select_n3A = arith.select %ge3A_16, %add3A_14, %mul3A_18 : vector<4096x128xi1>, vector<4096x128xf32>
    %get3A_19 = arith.constant 0 : index
    %get3A_20 = arith.constant 0 : index
    %get3A_21 = vector.load %arg10[%get3A_19, %get3A_20] : memref<128x128xf32, #tpu.memory_space<vmem>>, vector<128x128xf32>
    %dot_general3A_22 = arith.constant dense<0.000000e+00> : vector<4096x128xf32>
    %dot_general3A_23 = tpu.matmul %reshape3A, %get3A_21, %dot_general3A_22 {dimension_numbers = #tpu.dot_dimension_numbers<[1], [0], [0], [1], [0, 0, 1, 1], [], []>, transpose_lhs_hint = false} : vector<4096x128xf32>, vector<128x128xf32>, vector<4096x128xf32> -> vector<4096x128xf32>
    %get3A_24 = arith.constant 0 : index
    %get3A_25 = arith.constant 0 : index
    %get3A_26 = vector.load %arg11[%get3A_24, %get3A_25] : memref<128x128xf32, #tpu.memory_space<vmem>>, vector<128x128xf32>
    %dot_general3A_27 = arith.constant dense<0.000000e+00> : vector<4096x128xf32>
    %dot_general3A_28 = tpu.matmul %select_n3A, %get3A_26, %dot_general3A_27 {dimension_numbers = #tpu.dot_dimension_numbers<[1], [0], [0], [1], [0, 0, 1, 1], [], []>, transpose_lhs_hint = false} : vector<4096x128xf32>, vector<128x128xf32>, vector<4096x128xf32> -> vector<4096x128xf32>
    %add3A_29 = arith.addf %reshape3A, %select_n3A : vector<4096x128xf32>
    %get3A_30 = arith.constant 0 : index
    %get3A_31 = arith.constant 0 : index
    %get3A_32 = vector.load %arg12[%get3A_30, %get3A_31] : memref<128x128xf32, #tpu.memory_space<vmem>>, vector<128x128xf32>
    %dot_general3A_33 = arith.constant dense<0.000000e+00> : vector<4096x128xf32>
    %dot_general3A_34 = tpu.matmul %add3A_29, %get3A_32, %dot_general3A_33 {dimension_numbers = #tpu.dot_dimension_numbers<[1], [0], [0], [1], [0, 0, 1, 1], [], []>, transpose_lhs_hint = false} : vector<4096x128xf32>, vector<128x128xf32>, vector<4096x128xf32> -> vector<4096x128xf32>
    %mul3A_35 = arith.mulf %dot_general3A_23, %dot_general3A_28 : vector<4096x128xf32>
    %reduce_sum3A = arith.constant dense<0.000000e+00> : vector<4096xf32>
    %reduce_sum3A_36 = vector.multi_reduction <add>, %mul3A_35, %reduce_sum3A [1] : vector<4096x128xf32> to vector<4096xf32>
    %reshape3A_37 = vector.shape_cast %reduce_sum3A_36 : vector<4096xf32> to vector<256x16xf32>
    %div3A = arith.constant 11.3137083 : f32
    %div3A_38 = vector.broadcast %div3A : f32 to vector<256x16xf32>
    %div3A_39 = arith.divf %reshape3A_37, %div3A_38 : vector<256x16xf32>
    %reduce_max3A = arith.constant dense<0xFF800000> : vector<256xf32>
    %reduce_max3A_40 = vector.multi_reduction <maximumf>, %div3A_39, %reduce_max3A [1] : vector<256x16xf32> to vector<256xf32>
    %broadcast_in_dim3A_41 = vector.shape_cast %reduce_max3A_40 : vector<256xf32> to vector<256x1xf32>
    %sub3A = vector.broadcast %broadcast_in_dim3A_41 : vector<256x1xf32> to vector<256x16xf32>
    %sub3A_42 = arith.subf %div3A_39, %sub3A : vector<256x16xf32>
    %exp3A = math.exp %sub3A_42 : vector<256x16xf32>
    %reduce_sum3A_43 = arith.constant dense<0.000000e+00> : vector<256xf32>
    %reduce_sum3A_44 = vector.multi_reduction <add>, %exp3A, %reduce_sum3A_43 [1] : vector<256x16xf32> to vector<256xf32>
    %broadcast_in_dim3A_45 = vector.shape_cast %reduce_sum3A_44 : vector<256xf32> to vector<256x1xf32>
    %div3A_46 = vector.broadcast %broadcast_in_dim3A_45 : vector<256x1xf32> to vector<256x16xf32>
    %div3A_47 = arith.divf %exp3A, %div3A_46 : vector<256x16xf32>
    %broadcast_in_dim3A_48 = vector.shape_cast %div3A_47 : vector<256x16xf32> to vector<256x16x1xf32>
    %reshape3A_49 = vector.shape_cast %dot_general3A_34 : vector<4096x128xf32> to vector<256x16x128xf32>
    %mul3A_50 = vector.broadcast %broadcast_in_dim3A_48 : vector<256x16x1xf32> to vector<256x16x128xf32>
    %mul3A_51 = arith.mulf %mul3A_50, %reshape3A_49 : vector<256x16x128xf32>
    %reduce_sum3A_52 = arith.constant dense<0.000000e+00> : vector<256x128xf32>
    %reduce_sum3A_53 = vector.multi_reduction <add>, %mul3A_51, %reduce_sum3A_52 [1] : vector<256x16x128xf32> to vector<256x128xf32>
    %get3A_54 = arith.constant 0 : index
    %get3A_55 = arith.constant 0 : index
    %get3A_56 = arith.constant 0 : index
    %get3A_57 = vector.load %arg5[%get3A_54, %get3A_55, %get3A_56] : memref<1x1x256xf32, #tpu.memory_space<vmem>>, vector<1x1x256xf32>
    %get3A_58 = vector.shape_cast %get3A_57 : vector<1x1x256xf32> to vector<1x256xf32>
    %get3A_59 = arith.constant 0 : index
    %get3A_60 = arith.constant 0 : index
    %get3A_61 = vector.load %arg13[%get3A_59, %get3A_60] : memref<256x256xf32, #tpu.memory_space<vmem>>, vector<256x256xf32>
    %dot_general3A_62 = arith.constant dense<0.000000e+00> : vector<1x256xf32>
    %dot_general3A_63 = tpu.matmul %get3A_58, %get3A_61, %dot_general3A_62 {dimension_numbers = #tpu.dot_dimension_numbers<[1], [0], [0], [1], [0, 0, 1, 1], [], []>, transpose_lhs_hint = false} : vector<1x256xf32>, vector<256x256xf32>, vector<1x256xf32> -> vector<1x256xf32>
    %get3A_64 = arith.constant 0 : index
    %get3A_65 = arith.constant 0 : index
    %get3A_66 = arith.constant 0 : index
    %get3A_67 = vector.load %arg6[%get3A_64, %get3A_65, %get3A_66] : memref<1x1x256xf32, #tpu.memory_space<vmem>>, vector<1x1x256xf32>
    %get3A_68 = vector.shape_cast %get3A_67 : vector<1x1x256xf32> to vector<1x256xf32>
    %get3A_69 = arith.constant 0 : index
    %get3A_70 = arith.constant 0 : index
    %get3A_71 = vector.load %arg14[%get3A_69, %get3A_70] : memref<256x256xf32, #tpu.memory_space<vmem>>, vector<256x256xf32>
    %dot_general3A_72 = arith.constant dense<0.000000e+00> : vector<1x256xf32>
    %dot_general3A_73 = tpu.matmul %get3A_68, %get3A_71, %dot_general3A_72 {dimension_numbers = #tpu.dot_dimension_numbers<[1], [0], [0], [1], [0, 0, 1, 1], [], []>, transpose_lhs_hint = false} : vector<1x256xf32>, vector<256x256xf32>, vector<1x256xf32> -> vector<1x256xf32>
    %add3A_74 = arith.addf %dot_general3A_63, %dot_general3A_73 : vector<1x256xf32>
    %get3A_75 = arith.constant 0 : index
    %get3A_76 = arith.constant 0 : index
    %get3A_77 = arith.constant 0 : index
    %get3A_78 = vector.load %arg7[%get3A_75, %get3A_76, %get3A_77] : memref<1x1x64xf32, #tpu.memory_space<vmem>>, vector<1x1x64xf32>
    %get3A_79 = vector.shape_cast %get3A_78 : vector<1x1x64xf32> to vector<1x64xf32>
    %get3A_80 = arith.constant 0 : index
    %get3A_81 = arith.constant 0 : index
    %get3A_82 = vector.load %arg17[%get3A_80, %get3A_81] : memref<64x256xf32, #tpu.memory_space<vmem>>, vector<64x256xf32>
    %dot_general3A_83 = arith.constant dense<0.000000e+00> : vector<1x256xf32>
    %dot_general3A_84 = tpu.matmul %get3A_79, %get3A_82, %dot_general3A_83 {dimension_numbers = #tpu.dot_dimension_numbers<[1], [0], [0], [1], [0, 0, 1, 1], [], []>, transpose_lhs_hint = false} : vector<1x64xf32>, vector<64x256xf32>, vector<1x256xf32> -> vector<1x256xf32>
    %add3A_85 = arith.addf %add3A_74, %dot_general3A_84 : vector<1x256xf32>
    %get3A_86 = arith.constant 0 : index
    %get3A_87 = arith.constant 0 : index
    %get3A_88 = arith.constant 0 : index
    %get3A_89 = vector.load %arg4[%get3A_86, %get3A_87, %get3A_88] : memref<1x256x128xf32, #tpu.memory_space<vmem>>, vector<1x256x128xf32>
    %get3A_90 = vector.shape_cast %get3A_89 : vector<1x256x128xf32> to vector<256x128xf32>
    %get3A_91 = arith.constant 0 : index
    %get3A_92 = arith.constant 0 : index
    %get3A_93 = vector.load %arg15[%get3A_91, %get3A_92] : memref<128x256xf32, #tpu.memory_space<vmem>>, vector<128x256xf32>
    %dot_general3A_94 = arith.constant dense<0.000000e+00> : vector<256x256xf32>
    %dot_general3A_95 = tpu.matmul %reduce_sum3A_53, %get3A_93, %dot_general3A_94 {dimension_numbers = #tpu.dot_dimension_numbers<[1], [0], [0], [1], [0, 0, 1, 1], [], []>, transpose_lhs_hint = false} : vector<256x128xf32>, vector<128x256xf32>, vector<256x256xf32> -> vector<256x256xf32>
    %get3A_96 = arith.constant 0 : index
    %get3A_97 = arith.constant 0 : index
    %get3A_98 = vector.load %arg16[%get3A_96, %get3A_97] : memref<128x256xf32, #tpu.memory_space<vmem>>, vector<128x256xf32>
    %dot_general3A_99 = arith.constant dense<0.000000e+00> : vector<256x256xf32>
    %dot_general3A_100 = tpu.matmul %get3A_90, %get3A_98, %dot_general3A_99 {dimension_numbers = #tpu.dot_dimension_numbers<[1], [0], [0], [1], [0, 0, 1, 1], [], []>, transpose_lhs_hint = false} : vector<256x128xf32>, vector<128x256xf32>, vector<256x256xf32> -> vector<256x256xf32>
    %add3A_101 = arith.addf %dot_general3A_95, %dot_general3A_100 : vector<256x256xf32>
    %add3A_102 = vector.broadcast %add3A_85 : vector<1x256xf32> to vector<256x256xf32>
    %add3A_103 = arith.addf %add3A_101, %add3A_102 : vector<256x256xf32>
    %get3A_104 = arith.constant 0 : index
    %get3A_105 = vector.load %arg18[%get3A_104] : memref<256xf32, #tpu.memory_space<vmem>>, vector<256xf32>
    %broadcast_in_dim3A_106 = vector.shape_cast %get3A_105 : vector<256xf32> to vector<1x256xf32>
    %add3A_107 = vector.broadcast %broadcast_in_dim3A_106 : vector<1x256xf32> to vector<256x256xf32>
    %add3A_108 = arith.addf %add3A_103, %add3A_107 : vector<256x256xf32>
    %ge3A_109 = arith.constant 0.000000e+00 : f32
    %ge3A_110 = vector.broadcast %ge3A_109 : f32 to vector<256x256xf32>
    %ge3A_111 = arith.cmpf oge, %add3A_108, %ge3A_110 : vector<256x256xf32>
    %mul3A_112 = arith.constant 2.000000e-01 : f32
    %mul3A_113 = vector.broadcast %mul3A_112 : f32 to vector<256x256xf32>
    %mul3A_114 = arith.mulf %mul3A_113, %add3A_108 : vector<256x256xf32>
    %select_n3A_115 = arith.select %ge3A_111, %add3A_108, %mul3A_114 : vector<256x256xi1>, vector<256x256xf32>
    %get3A_116 = arith.constant 0 : index
    %get3A_117 = arith.constant 0 : index
    %get3A_118 = vector.load %arg19[%get3A_116, %get3A_117] : memref<256x1xf32, #tpu.memory_space<vmem>>, vector<256x1xf32>
    %dot_general3A_119 = arith.constant dense<0.000000e+00> : vector<256x1xf32>
    %dot_general3A_120 = tpu.matmul %select_n3A_115, %get3A_118, %dot_general3A_119 {dimension_numbers = #tpu.dot_dimension_numbers<[1], [0], [0], [1], [0, 0, 1, 1], [], []>, transpose_lhs_hint = false} : vector<256x256xf32>, vector<256x1xf32>, vector<256x1xf32> -> vector<256x1xf32>
    %get3A_121 = arith.constant 0 : index
    %get3A_122 = vector.load %arg20[%get3A_121] : memref<1xf32, #tpu.memory_space<vmem>>, vector<1xf32>
    %broadcast_in_dim3A_123 = vector.shape_cast %get3A_122 : vector<1xf32> to vector<1x1xf32>
    %add3A_124 = vector.broadcast %broadcast_in_dim3A_123 : vector<1x1xf32> to vector<256x1xf32>
    %add3A_125 = arith.addf %dot_general3A_120, %add3A_124 : vector<256x1xf32>
    %squeeze3A = vector.shape_cast %add3A_125 : vector<256x1xf32> to vector<256xf32>
    %swap3A = arith.constant 0 : index
    %swap3A_126 = arith.constant 0 : index
    %swap3A_127 = arith.constant 0 : index
    %swap3A_128 = vector.load %arg21[%swap3A, %swap3A_126, %swap3A_127] : memref<1x1x256xf32, #tpu.memory_space<vmem>>, vector<1x1x256xf32>
    %swap3A_129 = vector.shape_cast %swap3A_128 : vector<1x1x256xf32> to vector<256xf32>
    %swap3A_130 = vector.shape_cast %squeeze3A : vector<256xf32> to vector<1x1x256xf32>
    tpu.vector_store %arg21[%swap3A, %swap3A_126, %swap3A_127], %swap3A_130 {strides = array<i32>} : memref<1x1x256xf32, #tpu.memory_space<vmem>>, vector<1x1x256xf32>,
    return
  }
  func.func @transform_0(%arg0: i32, %arg1: i32) -> (i32, i32, i32) {
    %mul3A = arith.constant 8 : i32
    %mul3A_0 = arith.muli %arg0, %mul3A : i32
    %add3A = arith.addi %mul3A_0, %arg1 : i32
    %c0_i32 = arith.constant 0 : i32
    %c0_i32_1 = arith.constant 0 : i32
    %c0_i32_2 = arith.constant 0 : i32
    return %add3A, %c0_i32, %c0_i32_1 : i32, i32, i32
  }
  func.func @transform_1(%arg0: i32, %arg1: i32) -> (i32, i32, i32) {
    %mul3A = arith.constant 8 : i32
    %mul3A_0 = arith.muli %arg0, %mul3A : i32
    %add3A = arith.addi %mul3A_0, %arg1 : i32
    %c0_i32 = arith.constant 0 : i32
    %c0_i32_1 = arith.constant 0 : i32
    %c0_i32_2 = arith.constant 0 : i32
    return %add3A, %c0_i32, %c0_i32_1 : i32, i32, i32
  }
  func.func @transform_2(%arg0: i32, %arg1: i32) -> (i32, i32, i32) {
    %c0_i32 = arith.constant 0 : i32
    %c0_i32_0 = arith.constant 0 : i32
    return %arg0, %arg1, %c0_i32 : i32, i32, i32
  }
  func.func @transform_3(%arg0: i32, %arg1: i32) -> (i32, i32, i32) {
    %c0_i32 = arith.constant 0 : i32
    %c0_i32_0 = arith.constant 0 : i32
    %c0_i32_1 = arith.constant 0 : i32
    return %arg0, %c0_i32, %c0_i32_0 : i32, i32, i32
  }
  func.func @transform_4(%arg0: i32, %arg1: i32) -> (i32, i32, i32) {
    %c0_i32 = arith.constant 0 : i32
    %c0_i32_0 = arith.constant 0 : i32
    %c0_i32_1 = arith.constant 0 : i32
    return %arg0, %c0_i32, %c0_i32_0 : i32, i32, i32
  }
  func.func @transform_5(%arg0: i32, %arg1: i32) -> (i32, i32, i32) {
    %c0_i32 = arith.constant 0 : i32
    %c0_i32_0 = arith.constant 0 : i32
    %c0_i32_1 = arith.constant 0 : i32
    return %arg0, %c0_i32, %c0_i32_0 : i32, i32, i32
  }
  func.func @transform_6(%arg0: i32, %arg1: i32) -> (i32, i32) {
    %c0_i32 = arith.constant 0 : i32
    %c0_i32_0 = arith.constant 0 : i32
    %c0_i32_1 = arith.constant 0 : i32
    return %c0_i32, %c0_i32_0 : i32, i32
  }
  func.func @transform_7(%arg0: i32, %arg1: i32) -> i32 {
    %c0_i32 = arith.constant 0 : i32
    %c0_i32_0 = arith.constant 0 : i32
    return %c0_i32 : i32
  }
  func.func @transform_8(%arg0: i32, %arg1: i32) -> (i32, i32) {
    %c0_i32 = arith.constant 0 : i32
    %c0_i32_0 = arith.constant 0 : i32
    %c0_i32_1 = arith.constant 0 : i32
    return %c0_i32, %c0_i32_0 : i32, i32
  }
  func.func @transform_9(%arg0: i32, %arg1: i32) -> (i32, i32) {
    %c0_i32 = arith.constant 0 : i32
    %c0_i32_0 = arith.constant 0 : i32
    %c0_i32_1 = arith.constant 0 : i32
    return %c0_i32, %c0_i32_0 : i32, i32
  }
  func.func @transform_10(%arg0: i32, %arg1: i32) -> (i32, i32) {
    %c0_i32 = arith.constant 0 : i32
    %c0_i32_0 = arith.constant 0 : i32
    %c0_i32_1 = arith.constant 0 : i32
    return %c0_i32, %c0_i32_0 : i32, i32
  }
  func.func @transform_11(%arg0: i32, %arg1: i32) -> (i32, i32) {
    %c0_i32 = arith.constant 0 : i32
    %c0_i32_0 = arith.constant 0 : i32
    %c0_i32_1 = arith.constant 0 : i32
    return %c0_i32, %c0_i32_0 : i32, i32
  }
  func.func @transform_12(%arg0: i32, %arg1: i32) -> (i32, i32) {
    %c0_i32 = arith.constant 0 : i32
    %c0_i32_0 = arith.constant 0 : i32
    %c0_i32_1 = arith.constant 0 : i32
    return %c0_i32, %c0_i32_0 : i32, i32
  }
  func.func @transform_13(%arg0: i32, %arg1: i32) -> (i32, i32) {
    %c0_i32 = arith.constant 0 : i32
    %c0_i32_0 = arith.constant 0 : i32
    %c0_i32_1 = arith.constant 0 : i32
    return %c0_i32, %c0_i32_0 : i32, i32
  }
  func.func @transform_14(%arg0: i32, %arg1: i32) -> (i32, i32) {
    %c0_i32 = arith.constant 0 : i32
    %c0_i32_0 = arith.constant 0 : i32
    %c0_i32_1 = arith.constant 0 : i32
    return %c0_i32, %c0_i32_0 : i32, i32
  }
  func.func @transform_15(%arg0: i32, %arg1: i32) -> (i32, i32) {
    %c0_i32 = arith.constant 0 : i32
    %c0_i32_0 = arith.constant 0 : i32
    %c0_i32_1 = arith.constant 0 : i32
    return %c0_i32, %c0_i32_0 : i32, i32
  }
  func.func @transform_16(%arg0: i32, %arg1: i32) -> i32 {
    %c0_i32 = arith.constant 0 : i32
    %c0_i32_0 = arith.constant 0 : i32
    return %c0_i32 : i32
  }
  func.func @transform_17(%arg0: i32, %arg1: i32) -> (i32, i32) {
    %c0_i32 = arith.constant 0 : i32
    %c0_i32_0 = arith.constant 0 : i32
    %c0_i32_1 = arith.constant 0 : i32
    return %c0_i32, %c0_i32_0 : i32, i32
  }
  func.func @transform_18(%arg0: i32, %arg1: i32) -> i32 {
    %c0_i32 = arith.constant 0 : i32
    %c0_i32_0 = arith.constant 0 : i32
    return %c0_i32 : i32
  }
  func.func @transform_19(%arg0: i32, %arg1: i32) -> (i32, i32, i32) {
    %c0_i32 = arith.constant 0 : i32
    %c0_i32_0 = arith.constant 0 : i32
    return %arg0, %c0_i32, %arg1 : i32, i32, i32
  }
}

</mosaic_0001>

<sc_bundles>
// kernel: kernel.7.cloned.1.call-start
scs
__scs_entry_jumppad:
0x0: {  	(pc) =	sbr.rel $0x88, $3  }
0x1: {  	(tag) =	ssettag $0x0;
	lr =	simm.s32 $0x1  }
0x2: {  	[smem:$0x3F86] =	sst lr;
	_ =	strace $0xD0000000  }
0x3: {  	_ = 	snop  }
0x4: {  	_ = 	snop  }
0x5: {  	_ = 	snop  }
0x6: {  	_ = 	snop  }
0x7: {  	_ = 	snop  }
__scs_overlays_trampoline_lowered:
0x8: {  	[smem:$0x3F95] =	sst s0  }
0x9: {  	[smem:$0x3F96] =	sst s1  }
0xa: {  	[smem:$0x3F97] =	sst s2  }
0xb: {  	[smem:$0x3F98] =	sst s3  }
0xc: {  	[smem:$0x3F99] =	sst s4  }
0xd: {  	[smem:$0x3F9A] =	sst s5  }
0xe: {  	[smem:$0x3F9B] =	sst s6  }
0xf: {  	[smem:$0x3F9C] =	sst s7  }
0x10: {  	[smem:$0x3F9D] =	sst s8  }
0x11: {  	[smem:$0x3F9E] =	sst s9;
	s0 =	simm.s32 @!p0 $0x0  }
0x12: {  	s1 =	sld [smem:$0x3F84];
	s0 =	simm.s32 @p0 $0x1  }
0x13: {  	[smem:$0x3F9F] =	sst s0;
	s0 =	simm.s32 @!p1 $0x0  }
0x14: {  	s2 =	sld [smem:$0x3F83];
	s0 =	simm.s32 @p1 $0x1  }
0x15: {  	[smem:$0x3FA0] =	sst s0;
	s0 =	simm.s32 @!p2 $0x0  }
0x16: {  	s3 =	sld [smem:$0x3FDB];
	s0 =	simm.s32 @p2 $0x1  }
0x17: {  	s4 =	simm.s32 $0x1BF5;
	[smem:$0x3FA2] =	sst s0  }
0x18: {  	s0 =	sld [smem:$0x3F85];
	_ =	swait.ge [sflag:s4], $0x0  }
0x19: {  	s7 =	sld [smem:$0x3F86]  }
0x1a: {  	s8 =	sadd.s32 $0xFFFFE003, lr  }
0x1b: {  	s9 =	sadd.s32 $0xFFFFFEF7, lr;
	s5 =	simm.s32 $0xFFFFFFFF;
	p2 =	slt.u32 s8, $0xFFFFF086  }
0x1c: {  	p1 =	slt.u32 s9, $0xF7A;
	s5 =	simm.s32 @!p2 $0x0  }
0x1d: {  	s5 =	simm.s32 @p1 $0x1;
	p0 =	seq.s32 s7, s2  }
0x1e: {  	s7 =	smul.u32 @!p0 $0xF7A, s2;
	p2 =	seq.s32 @!p0 s5, $0x0  }
0x1f: {  	s9 =	smul.u32 $0xF7A, s1;
	s8 =	simm.s32 @!p0 $0x1BF5;
	p2 =	por !p2, p0  }
0x20: {  	[sflag:s8] =	ssyncset.s32 @!p0 $0xFFFFF086;
	s6 =	sadd.s32 @!p0 s3, s7;
	s7 =	simm.s32 @!p0 $0x108  }
0x21: {  	s3 =	sadd.s32 s3, s9;
	s6 =	sadd.s32 @!p0 $0x88, s6;
	s7 =	simm.s32 @p2 $0x1082  }
0x22: {  	[simem:s7], [sflag:s8] =	dma.local @!p0 [hbm:s6], $0xF7A  }
0x23: {  	s9 =	sor.u32 $0xD0000000, s2;
	s6 =	simm.s32 $0x108;
	_ =	swait.ge @!p0 [sflag:s8], $0x0  }
0x24: {  	s3 =	sadd.s32 $0x88, s3;
	s6 =	simm.s32 @!p1 $0x1082;
	[sflag:s4] =	ssyncset.s32 $0xFFFFF086  }
0x25: {  	[simem:s6], [sflag:s4] =	dma.local [hbm:s3], $0xF7A  }
0x26: {  	[smem:$0x3F86] =	sst s1;
	(tag) =	ssettag s2;
	_ =	strace s9  }
0x27: {  	s1 =	sld [smem:$0x3F96]  }
0x28: {  	s2 =	sld [smem:$0x3F97]  }
0x29: {  	s4 =	sld [smem:$0x3F99]  }
0x2a: {  	p0 =	seq.s32 s5, $0x0;
	s5 =	sld [smem:$0x3F9A]  }
0x2b: {  	s6 =	sld [smem:$0x3F9B]  }
0x2c: {  	s7 =	sld [smem:$0x3F9C]  }
0x2d: {  	s3 =	simm.s32 $0x108;
	s8 =	sld [smem:$0x3F9D]  }
0x2e: {  	s3 =	simm.s32 @!p0 $0x1082;
	s9 =	sld [smem:$0x3F9E]  }
0x2f: {  	lr =	sadd.s32 s0, s3;
	s0 =	sld [smem:$0x3F95]  }
0x30: {  	s3 =	sld [smem:$0x3F98]  }
0x31: {  	[smem:$0x3FA1] =	sst s10  }
0x32: {  	s10 =	sld [smem:$0x3F9F];
	_ =	sdelay $0x3  }
0x33: {  	p0 =	seq.s32 s10, $0x1;
	s10 =	sld [smem:$0x3FA1];
	_ =	sdelay $0x3  }
0x34: {  	[smem:$0x3FA1] =	sst s10  }
0x35: {  	s10 =	sld [smem:$0x3FA0];
	_ =	sdelay $0x3  }
0x36: {  	p1 =	seq.s32 s10, $0x1;
	s10 =	sld [smem:$0x3FA1];
	_ =	sdelay $0x3  }
0x37: {  	[smem:$0x3FA1] =	sst s10  }
0x38: {  	s10 =	sld [smem:$0x3FA2]  }
0x39: {  	_ = 	snop;
	(pc) =	sbr.ind lr, $3  }
0x3a: {  	_ = 	snop  }
0x3b: {  	_ = 	snop  }
0x3c: {  	p2 =	seq.s32 s10, $0x1;
	s10 =	sld [smem:$0x3FA1]  }
0x3d: {  	_ =	shalt  }
0x3e: {  	_ =	shalt  }
0x3f: {  	_ =	shalt  }
0x40: {  	_ =	shalt  }
0x41: {  	_ =	shalt  }
0x42: {  	_ =	shalt  }
0x43: {  	_ =	shalt  }
0x44: {  	_ =	shalt  }
0x45: {  	_ =	shalt  }
0x46: {  	_ =	shalt  }
0x47: {  	_ =	shalt  }
0x48: {  	_ =	shalt  }
0x49: {  	_ =	shalt  }
0x4a: {  	_ =	shalt  }
0x4b: {  	_ =	shalt  }
0x4c: {  	_ =	shalt  }
0x4d: {  	_ =	shalt  }
0x4e: {  	_ =	shalt  }
0x4f: {  	_ =	shalt  }
0x50: {  	_ =	shalt  }
0x51: {  	_ =	shalt  }
0x52: {  	_ =	shalt  }
0x53: {  	_ =	shalt  }
0x54: {  	_ =	shalt  }
0x55: {  	_ =	shalt  }
0x56: {  	_ =	shalt  }
0x57: {  	_ =	shalt  }
0x58: {  	_ =	shalt  }
0x59: {  	_ =	shalt  }
0x5a: {  	_ =	shalt  }
0x5b: {  	_ =	shalt  }
0x5c: {  	_ =	shalt  }
0x5d: {  	_ =	shalt  }
0x5e: {  	_ =	shalt  }
0x5f: {  	_ =	shalt  }
0x60: {  	_ =	shalt  }
0x61: {  	_ =	shalt  }
0x62: {  	_ =	shalt  }
0x63: {  	_ =	shalt  }
0x64: {  	_ =	shalt  }
0x65: {  	_ =	shalt  }
0x66: {  	_ =	shalt  }
0x67: {  	_ =	shalt  }
0x68: {  	_ =	shalt  }
0x69: {  	_ =	shalt  }
0x6a: {  	_ =	shalt  }
0x6b: {  	_ =	shalt  }
0x6c: {  	_ =	shalt  }
0x6d: {  	_ =	shalt  }
0x6e: {  	_ =	shalt  }
0x6f: {  	_ =	shalt  }
0x70: {  	_ =	shalt  }
0x71: {  	_ =	shalt  }
0x72: {  	_ =	shalt  }
0x73: {  	_ =	shalt  }
0x74: {  	_ =	shalt  }
0x75: {  	_ =	shalt  }
0x76: {  	_ =	shalt  }
0x77: {  	_ =	shalt  }
0x78: {  	_ =	shalt  }
0x79: {  	_ =	shalt  }
0x7a: {  	_ =	shalt  }
0x7b: {  	_ =	shalt  }
0x7c: {  	_ =	shalt  }
0x7d: {  	_ =	shalt  }
0x7e: {  	_ =	shalt  }
0x7f: {  	_ =	shalt  }
0x80: {  	_ =	shalt  }
0x81: {  	_ =	shalt  }
0x82: {  	_ =	shalt  }
0x83: {  	_ =	shalt  }
0x84: {  	_ =	shalt  }
0x85: {  	_ =	shalt  }
0x86: {  	_ =	shalt  }
0x87: {  	_ =	shalt  }
.Lfunc_end0:
.L_simem_size_0:
called_computation_lowered:
.L_overlay_start_0:
0x88: {  	s2 =	sld [smem:$0x3FD9]  }
0x89: {  	s3 =	sld [smem:$0x3FFE];
	_ =	sdelay $0x1  }
0x8a: {  	s1 =	srdreg.scid  }
0x8b: {  	s0 =	sand.u32 $0x1, s1  }
0x8c: {  	s16 =	sshll.u32 s0, $0xA;
	s2 =	sadd.s32 s3, s2  }
0x8d: {  	s2 =	sadd.s32 s2, s16  }
0x8e: {  	[smem:$0x3FAD] =	sst s2  }
0x8f: {  	_ = 	snop  }
0x90: {  	(tm) =	ssettm $0x1  }
0x91: {  	s17 =	sld [smem:$0x3FFB];
	_ =	sdelay $0x3  }
0x92: {  	_ =	strace s17  }
0x93: {  	s2 =	sld [smem:$0x3FFC];
	_ =	sdelay $0x3  }
0x94: {  	_ =	strace s2  }
0x95: {  	s2 =	sld [smem:$0x3FFD];
	_ =	sdelay $0x3  }
0x96: {  	_ =	strace s2  }
0x97: {  	_ =	strace $0x8FFFFFFF  }
0x98: {  	s18 =	sld [smem:$0x3FDB];
	_ =	sdelay $0x1  }
0x99: {  	s19 =	simm.s32 $_scs_section_size  }
0x9a: {  	s4 =	simm.s32 $_size__tile_overlayer_lowered;
	s5 =	simm.s32 $_tile_overlayer_lowered  }
0x9b: {  	s22 =	simm.s32 $0x1BFF;
	s21 =	sshll.u32 s5, $0x1;
	s2 =	sadd.s32 s19, s18  }
0x9c: {  	s6 =	simm.s32 $0x0;
	s20 =	sshll.u32 s4, $0x1;
	s4 =	sadd.s32 s21, s2  }
0x9d: {  	[timem:s6], [sflag:s22] =	dma.local [hbm:s4], s20  }
0x9e: {  	_ =	swait.ge [sflag:s22], s20  }
0x9f: {  	s3 =	ssub.s32 $0x0, s20;
	[sflag:s22] =	ssyncset.done $0x0  }
0xa0: {  	[sflag:s22] =	ssyncadd.s32 s3;
	_ =	sdelay $0x1  }
0xa1: {  	s23 =	simm.s32 $0x1B8B  }
0xa2: {  	_ =	swait.ge [sflag:s23], $0x1  }
0xa3: {  	[sflag:s23] =	ssyncset.done $0x0  }
0xa4: {  	s25 =	simm.s32 $0x1B8E;
	s24 =	sld [smem:$0x3FFE];
	[sflag:s23] =	ssyncadd.s32 $0xFFFFFFFF  }
0xa5: {  	s26 =	simm.s32 $execute0_lowered;
	[smem:$0x3FD2] =	sst s25  }
0xa6: {  	s4 =	sshll.u32 s26, $0x1;
	_ =	strace $0x80000046;
	[dreg:$0x1] =	wrdreg $0xFFFFFFFF  }
0xa7: {  	s28 =	simm.s32 $_size_execute0_lowered;
	s2 =	sadd.s32 s2, s4;
	[dreg:$0x0] =	wrdreg $0x0  }
0xa8: {  	s4 =	sshll.u32 s28, $0x1;
	[dreg:$0x2] =	wrdreg s2  }
0xa9: {  	[dreg:$0x3] =	wrdreg s4  }
0xaa: {  	[dreg:$0x4] =	wrdreg $0xC0  }
0xab: {  	_ =	task [dreg:s6], $0x5FFFF  }
0xac: {  	[dreg:$0x1] =	wrdreg $0xFFFFFFFF  }
0xad: {  	[dreg:$0x0] =	wrdreg $0x60  }
0xae: {  	[dreg:$0x2] =	wrdreg s24  }
0xaf: {  	[dreg:$0x3] =	wrdreg $0x9  }
0xb0: {  	_ =	task.clear_ibuf [dreg:s6], $0x4FFFF;
	_ =	strace $0x90000046  }
0xb1: {  	s29 =	simm.s32 $0x9;
	_ =	strace $0x80000048  }
0xb2: {  	_ =	swait.ge [sflag:s29], $0x1  }
0xb3: {  	[sflag:s29] =	ssyncadd.s32 $0xFFFFFFFF  }
0xb4: {  	_ =	strace $0x90000048  }
0xb5: {  	_ =	sfence  }
0xb6: {  	s30 =	sld [smem:$0x0];
	_ =	sdelay $0x2  }
0xb7: {  	s31 =	sshll.u32 s1, $0xD;
	s1 =	sshrl.u32 s1, $0x2  }
0xb8: {  	s3 =	sand.u32 $0x4000, s31;
	s1 =	sadd.s32 s1, s30  }
0xb9: {  	s0 =	sor.u32 s3, s0;
	s1 =	sshll.u32 s1, $0x11  }
0xba: {  	s0 =	sor.u32 s1, s0  }
0xbb: {  	s0 =	sadd.s32 $0x8F2B, s0  }
0xbc: {  	[sflag:s0] =	ssyncadd.remote.s32 $0x1  }
0xbd: {  	_ =	sfence.sel $0xFFFF  }
0xbe: {  	[dreg:$0x0] =	wrdreg $0xFFFFFFFF;
	(pc) =	sbr.abs _section_cstart, $3  }
0xbf: {  	[dreg:$0x1] =	wrdreg $0xFFFFFFFF  }
0xc0: {  	_ =	task.clear_ibuf [dreg:s6], $0x2FFFF;
	_ =	strace $0x9FFFFFFF  }
0xc1: {  	(tm) =	ssettm $0x7FFFFFFF  }
tec
execute0_lowered:
.L_overlay_start_1:
0x0: {  	(tag) =	ssettag $0x1  }
0x1: {  	s0 =	srdreg.scid  }
0x2: {  	s3 =	stileid.u32;
	s7 =	rddreg [dreg:$0x0];
	s15 =	simm.s32 $0x80  }
0x3: {  	s18 =	simm.s32 $0x2000;
	s19 =	simm.s32 $0x4000;
	s20 =	simm.s32 $0x6000  }
0x4: {  	s22 =	simm.s32 $0x1;
	s21 =	simm.s32 $0x14C80;
	s31 =	simm.s32 $0x0  }
0x5: {  	s0 =	sand.u32 $0x1, s0;
	s1 =	sshll.u32 s3, $0x9;
	s24 =	sshrl.u32 s3, $0x2  }
0x6: {  	s3 =	simm.s32 $0x0;
	s6 =	sadd.s32 $0x121200, s7;
	s12 =	sadd.s32 $0xA1400, s7  }
0x7: {  	s2 =	sshll.u32 s0, $0x8;
	s8 =	sshll.u32 s24, $0xD;
	[smem:$0x7FF] =	sst s3  }
0x8: {  	s0 =	ssub.s32 $0x2, s0;
	s2 =	sor.u32 s2, s1;
	_ =	strace $0x80000047  }
0x9: {  	s1 =	sshll.u32 s24, $0xC;
	s11 =	sshrl.u32 s0, $0x1;
	s24 =	simm.s32 $0x8400  }
0xa: {  	s4 =	sshll.u32 s2, $0x2;
	s5 =	sshll.u32 s2, $0x6;
	s1 =	sadd.s32 s1, s7  }
0xb: {  	s0 =	ssub.s32 s0, s11;
	s28 =	sshll.u32 s2, $0x8;
	s4 =	sand.u32 $0x1C00, s4  }
0xc: {  	s9 =	sadd.s32 s5, s7;
	s5 =	sadd.s32 $0x141200, s7;
	s25 =	sadd.s32 $0x5200, s1  }
0xd: {  	s26 =	sadd.s32 $0x5210, s1;
	s1 =	sadd.s32 $0x5220, s1;
	[dreg:$0x2] =	wrdreg s25  }
0xe: {  	s0 =	smax.u32 s0, $0x1;
	s4 =	sor.u32 s8, s4;
	[dreg:$0x3] =	wrdreg s26  }
0xf: {  	[dreg:$0x4] =	wrdreg s1;
	s30 =	sadd.s32 s28, s5;
	s9 =	sadd.s32 $0xA1200, s9  }
.Ltmp0:
0x10: {  	[dreg:$0x8] =	wrdreg s0;
	s25 =	simm.s32 $0x14880;
	(pc) =	sbr.rel .LBB2_1-.Ltmp0, $4  }
0x11: {  	v0 =	vlaneseq.u32;
	v2 =	vmov s8;
	s8 =	simm.s32 $0x3;
	s4 =	sshrl.u32 s4, $0x3;
	[dreg:$0x6] =	wrdreg s9  }
0x12: {  	v1 =	vmul.u32 $0x4, v0;
	s1 =	sadd.s32 $0xF800, s30;
	s9 =	simm.s32 $0x2;
	s10 =	sadd.s32 s4, s7  }
0x13: {  	v3 =	vimm.f32 $0.0e+00;
	v4 =	vimm.s32 $0x0;
	s4 =	sadd.s32 $0x21200, s7;
	[dreg:$0x7] =	wrdreg s1;
	s29 =	sadd.s32 $0x9200, s10  }
0x14: {  	v5 =	vmul.u32 $0x200, v0;
	v6 =	vor.u32 $0x1, v1;
	v7 =	vor.u32 $0x2, v1;
	s7 =	simm.s32 $0x9;
	s10 =	simm.s32 $0x0;
	[dreg:$0x5] =	wrdreg s29  }
.LBB2_25:
0x15: {  	s0 =	simm.s32 $0x4  }
0x16: {  	_ =	swait.ge [sflag:s0], $0x4000  }
0x17: {  	s1 =	simm.s32 $0x10880;
	[sflag:s0] =	ssyncset.done $0x0  }
0x18: {  	s7 =	simm.s32 $0x9;
	s23 =	rddreg [dreg:$0x7];
	[sflag:s0] =	ssyncadd.s32 $0xFFFFC000  }
0x19: {  	[hbm4b:s23+s3] =	stream.linear.scatter [tilespmem:s1], [sflag:$0x9], $0x4000, $0x38;
	[tilespmem:$0x15080] =	vst v63  }
0x1a: {  	_ =	swait.ge [sflag:s7], $0x4000  }
0x1b: {  	[sflag:s7] =	ssyncset.done $0x0  }
0x1c: {  	s26 =	simm.s32 $0x5;
	[sflag:s7] =	ssyncadd.s32 $0xFFFFC000  }
0x1d: {  	_ =	swait.ge [sflag:s26], $0x4000  }
0x1e: {  	[sflag:s26] =	ssyncset.done $0x0  }
0x1f: {  	s28 =	simm.s32 $0x7;
	[sflag:s26] =	ssyncadd.s32 $0xFFFFC000  }
0x20: {  	_ =	swait.ge [sflag:s28], $0x400  }
0x21: {  	[sflag:s28] =	ssyncset.done $0x0  }
0x22: {  	s29 =	simm.s32 $0x8;
	[sflag:s28] =	ssyncadd.s32 $0xFFFFFC00  }
0x23: {  	_ =	swait.ge [sflag:s29], $0x400  }
0x24: {  	s10 =	rddreg [dreg:$0x9]  }
0x25: {  	s30 =	rddreg [dreg:$0x8];
	s10 =	sadd.s32 $0x1, s10  }
0x26: {  	p0 =	sne.s32 s10, s30  }
.Ltmp1:
0x27: {  	_ = 	snop;
	(pc) =	sbr.rel @!p0 .LBB2_26-.Ltmp1, $3  }
0x28: {  	_ =	sdelay $0x1  }
0x29: {  	[sflag:s29] =	ssyncset.done $0x0  }
0x2a: {  	[sflag:s29] =	ssyncadd.s32 $0xFFFFFC00  }
.LBB2_1:
0x2b: {  	[dreg:$0x9] =	wrdreg s10  }
0x2c: {  	s0 =	rddreg [dreg:$0x2];
	s1 =	simm.s32 $0x200  }
0x2d: {  	[tilespmem:s3], [sflag:$0x9] =	stream.strided.gather [hbm4b:s0+s15], $0x2000, s1, s15, $0x38;
	[tilespmem:$0x15080] =	vst v63  }
0x2e: {  	_ =	swait.ge [sflag:s7], $0x2000  }
0x2f: {  	[sflag:s7] =	ssyncset.done $0x0  }
0x30: {  	s28 =	rddreg [dreg:$0x3];
	[sflag:s7] =	ssyncadd.s32 $0xFFFFE000  }
0x31: {  	[tilespmem:s18], [sflag:$0x9] =	stream.strided.gather [hbm4b:s28+s15], $0x2000, s1, s15, $0x38;
	[tilespmem:$0x15080] =	vst v63  }
0x32: {  	_ =	swait.ge [sflag:s7], $0x2000  }
0x33: {  	[sflag:s7] =	ssyncset.done $0x0  }
0x34: {  	s29 =	rddreg [dreg:$0x4];
	[sflag:s7] =	ssyncadd.s32 $0xFFFFE000  }
0x35: {  	[tilespmem:s19], [sflag:$0x9] =	stream.strided.gather [hbm4b:s29+s15], $0x2000, s1, s15, $0x38;
	[tilespmem:$0x15080] =	vst v63  }
0x36: {  	_ =	swait.ge [sflag:s7], $0x2000  }
0x37: {  	[sflag:s7] =	ssyncset.done $0x0  }
0x38: {  	s30 =	rddreg [dreg:$0x5];
	[sflag:s7] =	ssyncadd.s32 $0xFFFFE000  }
0x39: {  	[tilespmem:s20], [sflag:$0x9] =	stream.linear.gather [hbm4b:s30+s3], $0x400, $0x38;
	[tilespmem:$0x15080] =	vst v63  }
0x3a: {  	_ =	swait.ge [sflag:s7], $0x400  }
0x3b: {  	[sflag:s7] =	ssyncset.done $0x0  }
0x3c: {  	s0 =	simm.s32 $0x40;
	s1 =	simm.s32 $0x0;
	[sflag:s7] =	ssyncadd.s32 $0xFFFFFC00  }
.LBB2_2:
0x3d: {  	p0 =	sne.s32 s0, $0xFC0;
	[tilespmem:s1+$0x14880] =	vst v3;
	s7 =	smov.u32 s0;
	s0 =	sadd.s32 $0x40, s0  }
.Ltmp2:
0x3e: {  	[tilespmem:s1+$0x14C80] =	vst v3;
	(pc) =	sbr.rel @p0 .LBB2_2-.Ltmp2, $2  }
0x3f: {  	_ =	sdelay $0x2  }
0x40: {  	s1 =	sshra.s32 s7, $0x2  }
.Ltmp3:
0x41: {  	(pc) =	sbr.rel .LBB2_4-.Ltmp3, $4  }
0x42: {  	_ = 	snop  }
0x43: {  	[tilespmem:s1+$0x14880] =	vst v3  }
0x44: {  	[tilespmem:s1+$0x14C80] =	vst v3;
	s11 =	simm.s32 $0x0;
	s0 =	rddreg [dreg:$0x6];
	s30 =	simm.s32 $0x6400  }
0x45: {  	[tilespmem:s30], [sflag:$0x1] =	stream.linear.gather [hbm4b:s0+s11], $0x1000, $0x38;
	[tilespmem:$0x15080] =	vst v63  }
.LBB2_23:
0x46: {  	s0 =	simm.s32 $0x10880;
	s1 =	simm.s32 $0xC800;
	s28 =	sshll.u32 s13, $0x4  }
0x47: {  	[tilespmem:s0], [sflag:$0x4] =	stream.indirect.gather [hbm4b:s4+s15], $0x80, s1, s15, $0xb8;
	[tilespmem:$0x15080] =	vst v63  }
0x48: {  	s29 =	sshll.u32 s13, $0x8;
	s0 =	sadd.s32 s6, s28  }
0x49: {  	[hbm4b:s0+s3] =	stream.linear.scatter [tilespmem:s21], [sflag:$0x8], $0x400, $0x38;
	[tilespmem:$0x15080] =	vst v63  }
0x4a: {  	s0 =	sadd.s32 $0x1FFFF800, s29;
	_ =	swait.ge [sflag:s8], $0x4000  }
0x4b: {  	s0 =	sand.u32 $0x1FFFF000, s0;
	[sflag:s8] =	ssyncset.done $0x0  }
0x4c: {  	s30 =	simm.s32 $0xC880;
	s0 =	sadd.s32 s5, s0;
	[sflag:s8] =	ssyncadd.s32 $0xFFFFC000  }
0x4d: {  	[hbm4b:s0+s3] =	stream.linear.scatter [tilespmem:s30], [sflag:$0x5], $0x4000, $0x38;
	[tilespmem:$0x15080] =	vst v63  }
.LBB2_24:
0x4e: {  	p0 =	slt.u32 s14, $0x20  }
.Ltmp4:
0x4f: {  	_ = 	snop;
	(pc) =	sbr.rel @!p0 .LBB2_25-.Ltmp4, $2  }
0x50: {  	_ =	sdelay $0x2  }
0x51: {  	s11 =	smov.u32 s14  }
.LBB2_4:
0x52: {  	s0 =	sand.u32 $0x1, s11  }
0x53: {  	p0 =	seq.s32 s0, $0x0  }
.Ltmp5:
0x54: {  	_ = 	snop;
	(pc) =	sbr.rel @!p0 .LBB2_5-.Ltmp5, $3  }
0x55: {  	_ =	sdelay $0x1  }
0x56: {  	s16 =	sshll.u32 s11, $0x3  }
0x57: {  	s13 =	sor.u32 s2, s16  }
0x58: {  	p0 =	sgt.u32 s11, $0x1  }
.Ltmp6:
0x59: {  	_ = 	snop;
	(pc) =	sbr.rel @!p0 .LBB2_10-.Ltmp6, $4  }
0x5a: {  	_ =	swait.ge [sflag:s22], $0x1000  }
0x5b: {  	s1 =	sshll.u32 s13, $0x6;
	s7 =	simm.s32 $0x7400;
	[sflag:s22] =	ssyncset.done $0x0  }
0x5c: {  	s14 =	sor.u32 $0x1, s11;
	s1 =	sadd.s32 s1, s12;
	[sflag:s22] =	ssyncadd.s32 $0xFFFFF000  }
0x5d: {  	[tilespmem:s7], [sflag:$0x2] =	stream.linear.gather [hbm4b:s1+s3], $0x1000, $0x38;
	[tilespmem:$0x15080] =	vst v63  }
.Ltmp7:
0x5e: {  	(pc) =	sbr.rel .LBB2_9-.Ltmp7, $2  }
0x5f: {  	_ =	sdelay $0x2  }
0x60: {  	s1 =	simm.s32 $0x7;
	s7 =	simm.s32 $0x5  }
.LBB2_5:
0x61: {  	p0 =	seq.s32 s11, $0x1F  }
0x62: {  	p1 =	slt.u32 @!p0 s11, $0x2  }
0x63: {  	p1 =	por p0, !p1  }
.Ltmp8:
0x64: {  	_ =	swait.ge [sflag:s9], $0x1000;
	(pc) =	sbr.rel @!p1 .LBB2_10-.Ltmp8, $4  }
0x65: {  	[sflag:s9] =	ssyncset.done $0x0  }
0x66: {  	s1 =	sshll.u32 @!p0 s13, $0x6;
	s7 =	simm.s32 @!p0 $0x0;
	s10 =	simm.s32 @!p0 $0x6400  }
0x67: {  	s14 =	simm.s32 @!p0 $0x2;
	[sflag:s9] =	ssyncadd.s32 $0xFFFFF000;
	s1 =	sadd.s32 @!p0 s1, s12  }
0x68: {  	[tilespmem:s10], [sflag:$0x1] =	stream.linear.gather @!p0 [hbm4b:s1+s7], $0x1000, $0x38;
	[tilespmem:$0x15080] =	vst v63  }
0x69: {  	s7 =	simm.s32 @!p0 $0x6;
	s14 =	sadd.s32 @!p0 $0x1, s11;
	s1 =	simm.s32 @!p0 $0x8  }
0x6a: {  	s7 =	simm.s32 @p0 $0x6;
	s1 =	simm.s32 @p0 $0x8;
	s14 =	simm.s32 @p0 $0x20  }
.LBB2_9:
0x6b: {  	_ =	swait.ge [sflag:s7], $0x4000  }
0x6c: {  	[sflag:s7] =	ssyncset.done $0x0  }
0x6d: {  	[sflag:s7] =	ssyncadd.s32 $0xFFFFC000  }
0x6e: {  	_ =	swait.ge [sflag:s1], $0x400  }
0x6f: {  	[sflag:s1] =	ssyncset.done $0x0  }
0x70: {  	[sflag:s1] =	ssyncadd.s32 $0xFFFFFC00  }
.LBB2_10:
0x71: {  	s1 =	sshll.u32 s0, $0xC  }
0x72: {  	s7 =	sor.u32 $0x6410, s1;
	s10 =	sor.u32 $0x6420, s1;
	s17 =	sor.u32 $0x6430, s1  }
0x73: {  	s26 =	sor.u32 $0x6440, s1;
	s28 =	sor.u32 $0x6450, s1;
	s30 =	sor.u32 $0x6460, s1;
	v8 =	vmov s7;
	v9 =	vmov s10  }
0x74: {  	s23 =	sor.u32 $0x6470, s1;
	s29 =	sor.u32 $0x6400, s1;
	v10 =	vmov s17;
	v11 =	vmov s26;
	v12 =	vmov s28;
	s26 =	sor.u32 $0x6800, s1  }
0x75: {  	v13 =	vmov s30;
	s28 =	sor.u32 $0x6810, s1;
	v14 =	vmov s23;
	s30 =	sor.u32 $0x6820, s1;
	s23 =	sor.u32 $0x6830, s1;
	v38 =	vmov s29  }
0x76: {  	v15 =	vmov s26;
	v16 =	vmov s28;
	s26 =	sor.u32 $0x6840, s1;
	v17 =	vmov s30;
	s28 =	sor.u32 $0x6850, s1;
	s30 =	sor.u32 $0x6860, s1  }
0x77: {  	v18 =	vmov s23;
	s23 =	sor.u32 $0x6870, s1;
	v19 =	vmov s26;
	v20 =	vmov s28;
	s26 =	sor.u32 $0x6C00, s1;
	s28 =	sor.u32 $0x6C10, s1  }
0x78: {  	v21 =	vmov s30;
	v22 =	vmov s23;
	s30 =	sor.u32 $0x6C20, s1;
	s23 =	sor.u32 $0x6C30, s1;
	v23 =	vmov s26;
	s26 =	sor.u32 $0x6C40, s1  }
.Ltmp9:
0x79: {  	v24 =	vmov s28;
	v25 =	vmov s30;
	s28 =	sor.u32 $0x6C50, s1;
	v26 =	vmov s23;
	s30 =	sor.u32 $0x6C60, s1;
	(pc) =	sbr.rel .LBB2_11-.Ltmp9, $4  }
0x7a: {  	s23 =	sor.u32 $0x6C70, s1;
	v27 =	vmov s26;
	v28 =	vmov s28;
	s26 =	sadd.s32 $0x7000, s1;
	v29 =	vmov s30;
	s28 =	sadd.s32 $0x7010, s1  }
0x7b: {  	v30 =	vmov s23;
	s30 =	sadd.s32 $0x7020, s1;
	s23 =	sadd.s32 $0x7030, s1;
	v31 =	vmov s26;
	v32 =	vmov s28;
	s26 =	sadd.s32 $0x7040, s1  }
0x7c: {  	v33 =	vmov s30;
	s28 =	sadd.s32 $0x7050, s1;
	v34 =	vmov s23;
	s30 =	sadd.s32 $0x7060, s1;
	s1 =	sadd.s32 $0x7070, s1;
	v35 =	vmov s26  }
0x7d: {  	p0 =	sne.s32 s0, $0x0;
	v36 =	vmov s28;
	v37 =	vmov s30;
	v39 =	vmov s1;
	s1 =	simm.s32 $0x0  }
.LBB2_22:
0x7e: {  	_ =	sdelay $0x2  }
.Ltmp10:
0x7f: {  	_ = 	snop;
	(pc) =	sbr.rel @p1 .LBB2_23-.Ltmp10, $4  }
0x80: {  	[tilespmem:v44+s21+$0x0] =	vst.idx.msk $0xffff, v41  }
0x81: {  	[tilespmem:v45+s21+$0x0] =	vst.idx.msk $0xffff, v42  }
0x82: {  	[tilespmem:v46+s21+$0x0] =	vst.idx.msk $0xffff, v40  }
0x83: {  	[tilespmem:s7+$0xC800] =	vst v43  }
.LBB2_11:
0x84: {  	_ =	sdelay $0x2  }
0x85: {  	s0 =	sshll.u32 s1, $0x7  }
0x86: {  	v40 =	vld.idx.msk [tilespmem:v38+s0+$0x0 ss:$0x1], $0xffff  }
0x87: {  	v41 =	vld.idx.msk [tilespmem:v8+s0+$0x0 ss:$0x1], $0xffff  }
0x88: {  	v42 =	vld.idx.msk [tilespmem:v9+s0+$0x0 ss:$0x1], $0xffff  }
0x89: {  	v43 =	vld.idx.msk [tilespmem:v10+s0+$0x0 ss:$0x1], $0xffff  }
0x8a: {  	v44 =	vld.idx.msk [tilespmem:v11+s0+$0x0 ss:$0x1], $0xffff  }
0x8b: {  	v45 =	vld.idx.msk [tilespmem:v12+s0+$0x0 ss:$0x1], $0xffff  }
0x8c: {  	v55 =	vld.idx.msk [tilespmem:v13+s0+$0x0 ss:$0x1], $0xffff;
	v40 =	vmin.f32 v40, v41  }
0x8d: {  	v56 =	vld.idx.msk [tilespmem:v14+s0+$0x0 ss:$0x1], $0xffff;
	v40 =	vmin.f32 v40, v42  }
0x8e: {  	v57 =	vld.idx.msk [tilespmem:v15+s0+$0x0 ss:$0x1], $0xffff;
	v40 =	vmin.f32 v40, v43  }
0x8f: {  	v58 =	vld.idx.msk [tilespmem:v16+s0+$0x0 ss:$0x1], $0xffff;
	v40 =	vmin.f32 v40, v44  }
0x90: {  	v59 =	vld.idx.msk [tilespmem:v17+s0+$0x0 ss:$0x1], $0xffff;
	v40 =	vmin.f32 v40, v45  }
0x91: {  	v60 =	vld.idx.msk [tilespmem:v18+s0+$0x0 ss:$0x1], $0xffff;
	v40 =	vmin.f32 v40, v55  }
0x92: {  	v61 =	vld.idx.msk [tilespmem:v19+s0+$0x0 ss:$0x1], $0xffff;
	v40 =	vmin.f32 v40, v56  }
0x93: {  	v62 =	vld.idx.msk [tilespmem:v20+s0+$0x0 ss:$0x1], $0xffff;
	v40 =	vmin.f32 v40, v57  }
0x94: {  	v63 =	vld.idx.msk [tilespmem:v21+s0+$0x0 ss:$0x1], $0xffff;
	v40 =	vmin.f32 v40, v58  }
0x95: {  	v48 =	vld.idx.msk [tilespmem:v22+s0+$0x0 ss:$0x1], $0xffff;
	v40 =	vmin.f32 v40, v59  }
0x96: {  	v49 =	vld.idx.msk [tilespmem:v23+s0+$0x0 ss:$0x1], $0xffff;
	v40 =	vmin.f32 v40, v60  }
0x97: {  	v50 =	vld.idx.msk [tilespmem:v24+s0+$0x0 ss:$0x1], $0xffff;
	v40 =	vmin.f32 v40, v61  }
0x98: {  	v51 =	vld.idx.msk [tilespmem:v25+s0+$0x0 ss:$0x1], $0xffff;
	v40 =	vmin.f32 v40, v62  }
0x99: {  	v52 =	vld.idx.msk [tilespmem:v26+s0+$0x0 ss:$0x1], $0xffff;
	v40 =	vmin.f32 v40, v63  }
0x9a: {  	v53 =	vld.idx.msk [tilespmem:v27+s0+$0x0 ss:$0x1], $0xffff;
	v40 =	vmin.f32 v40, v48  }
0x9b: {  	v54 =	vld.idx.msk [tilespmem:v28+s0+$0x0 ss:$0x1], $0xffff;
	v40 =	vmin.f32 v40, v49  }
0x9c: {  	v55 =	vld.idx.msk [tilespmem:v29+s0+$0x0 ss:$0x1], $0xffff;
	v40 =	vmin.f32 v40, v50  }
0x9d: {  	v56 =	vld.idx.msk [tilespmem:v30+s0+$0x0 ss:$0x1], $0xffff;
	v40 =	vmin.f32 v40, v51  }
0x9e: {  	v57 =	vld.idx.msk [tilespmem:v31+s0+$0x0 ss:$0x1], $0xffff;
	v40 =	vmin.f32 v40, v52  }
0x9f: {  	v58 =	vld.idx.msk [tilespmem:v32+s0+$0x0 ss:$0x1], $0xffff;
	v40 =	vmin.f32 v40, v53  }
0xa0: {  	v59 =	vld.idx.msk [tilespmem:v33+s0+$0x0 ss:$0x1], $0xffff;
	v40 =	vmin.f32 v40, v54  }
0xa1: {  	v60 =	vld.idx.msk [tilespmem:v34+s0+$0x0 ss:$0x1], $0xffff;
	v40 =	vmin.f32 v40, v55  }
0xa2: {  	v61 =	vld.idx.msk [tilespmem:v35+s0+$0x0 ss:$0x1], $0xffff;
	v40 =	vmin.f32 v40, v56  }
0xa3: {  	v62 =	vld.idx.msk [tilespmem:v36+s0+$0x0 ss:$0x1], $0xffff;
	v40 =	vmin.f32 v40, v57  }
0xa4: {  	v63 =	vld.idx.msk [tilespmem:v37+s0+$0x0 ss:$0x1], $0xffff;
	v40 =	vmin.f32 v40, v58  }
0xa5: {  	v47 =	vld.idx.msk [tilespmem:v39+s0+$0x0 ss:$0x1], $0xffff;
	v40 =	vmin.f32 v40, v59  }
0xa6: {  	v40 =	vmin.f32 v40, v60  }
0xa7: {  	v40 =	vmin.f32 v40, v61  }
0xa8: {  	v40 =	vmin.f32 v40, v62  }
0xa9: {  	v40 =	vmin.f32 v40, v63  }
0xaa: {  	v40 =	vmin.f32 v40, v47  }
0xab: {  	(xrf0) =	vmax.scan.msk.f32 $0xffff, v40;
	_ =	sdelay $0x5  }
0xac: {  	v40, _, _ =	vpop (xrf0)  }
0xad: {  	(v2sf) =	vpush v40, $0xF;
	_ =	sdelay $0xc  }
0xae: {  	v44 =	vmov s0  }
0xaf: {  	s7 =	sor.u32 s16, s1  }
0xb0: {  	s10 =	simm.s32 $0x0;
	s17 =	sand.u32 $0xC00, s31;
	s23 =	spop (v2sf)  }
0xb1: {  	s17 =	sadd.s32 s17, s29;
	v48 =	vmov s7;
	s7 =	sadd.f32 $2.000000090e-03, s23;
	s23 =	sand.u32 $0x40, s10  }
0xb2: {  	s23 =	sadd.s32 s23, s17  }
0xb3: {  	v52 =	vld.idx.msk [tilespmem:v44+s23+$0x0 ss:$0x1], $0xffff;
	_ =	sdelay $0x3  }
0xb4: {  	v43 =	vmov s7  }
0xb5: {  	vm0 =	vle.f32 v52, v43  }
0xb6: {  	v45 =	vsel vm0, $0x1, v4  }
0xb7: {  	(xrf0) =	vadd.scan.msk.s32 $0xffff, v45;
	_ =	sdelay $0x2  }
0xb8: {  	v53 =	vmov s31  }
0xb9: {  	v45 =	vadd.s32 $0xFFFFFFFF, v53  }
0xba: {  	v49 =	vshll.u32 v48, $0x2;
	v45 =	vbroadcast v45, $0x0  }
0xbb: {  	v41 =	vand.u32 $0x200, v49;
	v40 =	vand.u32 $0x7F, v48;
	v46, _, _ =	vpop (xrf0)  }
0xbc: {  	v40 =	vor.u32 v40, v41;
	v45 =	vadd.s32 v46, v45  }
0xbd: {  	v50 =	vor.u32 $0x80, v40;
	(v2sf) =	vpush v45, $0xF  }
0xbe: {  	v51 =	vor.u32 $0x100, v40;
	_ =	sdelay $0x2  }
0xbf: {  	v41 =	vld.idx.msk [tilespmem:v40+s20+$0x0], $0xffff;
	s23 =	simm.s32 $0x10  }
0xc0: {  	v54 =	vor.u32 s10, v0;
	v42 =	vld.idx.msk [tilespmem:v50+s20+$0x0], $0xffff;
	s26 =	sand.u32 $0x50, s23  }
0xc1: {  	v40 =	vld.idx.msk [tilespmem:v51+s20+$0x0], $0xffff;
	s10 =	sadd.s32 s26, s17;
	[tilespmem:v45+s24+$0x0] =	vst.idx.msk vm0, v54  }
0xc2: {  	v45 =	vld.idx.msk [tilespmem:v44+s10+$0x0 ss:$0x1], $0xffff;
	_ =	sdelay $0x4  }
0xc3: {  	vm0 =	vle.f32 v45, v43  }
0xc4: {  	v45 =	vsel vm0, $0x1, v4  }
0xc5: {  	(xrf0) =	vadd.scan.msk.s32 $0xffff, v45  }
0xc6: {  	s26 =	spop (v2sf)  }
0xc7: {  	s10 =	sadd.s32 $0x1, s26  }
0xc8: {  	v55 =	vmov s10  }
0xc9: {  	v45 =	vadd.s32 $0xFFFFFFFF, v55  }
0xca: {  	v45 =	vbroadcast v45, $0x0  }
0xcb: {  	v56, _, _ =	vpop (xrf0)  }
0xcc: {  	v45 =	vadd.s32 v56, v45  }
0xcd: {  	(v2sf) =	vpush v45, $0xF;
	_ =	sdelay $0x3  }
0xce: {  	s10 =	simm.s32 $0x20  }
0xcf: {  	v57 =	vor.u32 s23, v0;
	s26 =	sand.u32 $0x60, s10  }
0xd0: {  	s23 =	sadd.s32 s26, s17;
	[tilespmem:v45+s24+$0x0] =	vst.idx.msk vm0, v57  }
0xd1: {  	v45 =	vld.idx.msk [tilespmem:v44+s23+$0x0 ss:$0x1], $0xffff;
	_ =	sdelay $0x4  }
0xd2: {  	vm0 =	vle.f32 v45, v43  }
0xd3: {  	v45 =	vsel vm0, $0x1, v4  }
0xd4: {  	(xrf0) =	vadd.scan.msk.s32 $0xffff, v45  }
0xd5: {  	s26 =	spop (v2sf)  }
0xd6: {  	s23 =	sadd.s32 $0x1, s26  }
0xd7: {  	v58 =	vmov s23  }
0xd8: {  	v45 =	vadd.s32 $0xFFFFFFFF, v58  }
0xd9: {  	v45 =	vbroadcast v45, $0x0  }
0xda: {  	v59, _, _ =	vpop (xrf0)  }
0xdb: {  	v45 =	vadd.s32 v59, v45  }
0xdc: {  	(v2sf) =	vpush v45, $0xF;
	_ =	sdelay $0x3  }
0xdd: {  	s7 =	simm.s32 $0x30  }
0xde: {  	v60 =	vor.u32 s10, v0;
	s23 =	sand.u32 $0x70, s7  }
0xdf: {  	s10 =	sadd.s32 s23, s17;
	[tilespmem:v45+s24+$0x0] =	vst.idx.msk vm0, v60  }
0xe0: {  	v45 =	vld.idx.msk [tilespmem:v44+s10+$0x0 ss:$0x1], $0xffff;
	_ =	sdelay $0x4  }
0xe1: {  	vm0 =	vle.f32 v45, v43  }
0xe2: {  	v45 =	vsel vm0, $0x1, v4  }
0xe3: {  	(xrf0) =	vadd.scan.msk.s32 $0xffff, v45  }
0xe4: {  	s26 =	spop (v2sf)  }
0xe5: {  	s10 =	sadd.s32 $0x1, s26  }
0xe6: {  	v61 =	vmov s10  }
0xe7: {  	v45 =	vadd.s32 $0xFFFFFFFF, v61  }
0xe8: {  	v45 =	vbroadcast v45, $0x0  }
0xe9: {  	v62, _, _ =	vpop (xrf0)  }
0xea: {  	v45 =	vadd.s32 v62, v45  }
0xeb: {  	(v2sf) =	vpush v45, $0xF;
	_ =	sdelay $0x2  }
0xec: {  	s26 =	simm.s32 $0x200  }
0xed: {  	s23 =	simm.s32 $0x40;
	s10 =	sand.u32 $0xC00, s26  }
0xee: {  	v63 =	vor.u32 s7, v0;
	s17 =	sand.u32 $0x40, s23;
	s7 =	sadd.s32 s10, s29  }
0xef: {  	s10 =	sadd.s32 s17, s7;
	[tilespmem:v45+s24+$0x0] =	vst.idx.msk vm0, v63  }
0xf0: {  	v45 =	vld.idx.msk [tilespmem:v44+s10+$0x0 ss:$0x1], $0xffff;
	_ =	sdelay $0x4  }
0xf1: {  	vm0 =	vle.f32 v45, v43  }
0xf2: {  	v45 =	vsel vm0, $0x1, v4  }
0xf3: {  	s30 =	simm.s32 $0x4;
	(xrf0) =	vadd.scan.msk.s32 $0xffff, v45  }
0xf4: {  	s17 =	simm.s32 $0x70;
	s10 =	simm.s32 $0x70;
	s28 =	spop (v2sf)  }
.LBB2_12:
0xf5: {  	s30 =	sadd.s32 $0x4, s30;
	s28 =	sadd.s32 $0x1, s28  }
0xf6: {  	p1 =	slt.u32 s30, $0x1C;
	v45 =	vmov s28  }
0xf7: {  	v45 =	vadd.s32 $0xFFFFFFFF, v45  }
0xf8: {  	v45 =	vbroadcast v45, $0x0  }
0xf9: {  	v46, _, _ =	vpop (xrf0)  }
0xfa: {  	v45 =	vadd.s32 v46, v45  }
0xfb: {  	(v2sf) =	vpush v45, $0xF;
	_ =	sdelay $0x1  }
0xfc: {  	s28 =	sadd.s32 $0xFFFFFFE0, s17  }
0xfd: {  	v46 =	vor.u32 s23, v0;
	s23 =	sand.u32 $0x50, s28  }
0xfe: {  	s23 =	sadd.s32 s23, s7;
	[tilespmem:v45+s24+$0x0] =	vst.idx.msk vm0, v46  }
0xff: {  	v45 =	vld.idx.msk [tilespmem:v44+s23+$0x0 ss:$0x1], $0xffff;
	_ =	sdelay $0x5  }
0x100: {  	vm0 =	vle.f32 v45, v43  }
0x101: {  	v45 =	vsel vm0, $0x1, v4;
	_ =	sdelay $0x1  }
0x102: {  	(xrf0) =	vadd.scan.msk.s32 $0xffff, v45  }
0x103: {  	s23 =	spop (v2sf)  }
0x104: {  	s23 =	sadd.s32 $0x1, s23  }
0x105: {  	v45 =	vmov s23  }
0x106: {  	v45 =	vadd.s32 $0xFFFFFFFF, v45  }
0x107: {  	v45 =	vbroadcast v45, $0x0  }
0x108: {  	v46, _, _ =	vpop (xrf0)  }
0x109: {  	v45 =	vadd.s32 v46, v45  }
0x10a: {  	(v2sf) =	vpush v45, $0xF;
	_ =	sdelay $0x1  }
0x10b: {  	s23 =	sadd.s32 $0xFFFFFFF0, s17  }
0x10c: {  	v46 =	vor.u32 s28, v0;
	s28 =	sand.u32 $0x60, s23  }
0x10d: {  	s28 =	sadd.s32 s28, s7;
	[tilespmem:v45+s24+$0x0] =	vst.idx.msk vm0, v46  }
0x10e: {  	v45 =	vld.idx.msk [tilespmem:v44+s28+$0x0 ss:$0x1], $0xffff;
	_ =	sdelay $0x5  }
0x10f: {  	vm0 =	vle.f32 v45, v43  }
0x110: {  	v45 =	vsel vm0, $0x1, v4;
	_ =	sdelay $0x1  }
0x111: {  	(xrf0) =	vadd.scan.msk.s32 $0xffff, v45  }
0x112: {  	s28 =	spop (v2sf)  }
0x113: {  	s28 =	sadd.s32 $0x1, s28  }
0x114: {  	v45 =	vmov s28  }
0x115: {  	v45 =	vadd.s32 $0xFFFFFFFF, v45  }
0x116: {  	v45 =	vbroadcast v45, $0x0  }
0x117: {  	v46, _, _ =	vpop (xrf0)  }
0x118: {  	v45 =	vadd.s32 v46, v45  }
0x119: {  	(v2sf) =	vpush v45, $0xF;
	_ =	sdelay $0x2  }
0x11a: {  	v46 =	vor.u32 s23, v0;
	s23 =	sand.u32 $0x70, s17  }
0x11b: {  	s7 =	sadd.s32 s23, s7;
	[tilespmem:v45+s24+$0x0] =	vst.idx.msk vm0, v46  }
0x11c: {  	v45 =	vld.idx.msk [tilespmem:v44+s7+$0x0 ss:$0x1], $0xffff;
	_ =	sdelay $0x5  }
0x11d: {  	vm0 =	vle.f32 v45, v43  }
0x11e: {  	v45 =	vsel vm0, $0x1, v4;
	_ =	sdelay $0x1  }
0x11f: {  	(xrf0) =	vadd.scan.msk.s32 $0xffff, v45  }
0x120: {  	s7 =	spop (v2sf)  }
0x121: {  	s7 =	sadd.s32 $0x1, s7  }
0x122: {  	v45 =	vmov s7  }
0x123: {  	v45 =	vadd.s32 $0xFFFFFFFF, v45  }
0x124: {  	v45 =	vbroadcast v45, $0x0  }
0x125: {  	v46, _, _ =	vpop (xrf0)  }
0x126: {  	v45 =	vadd.s32 v46, v45  }
0x127: {  	(v2sf) =	vpush v45, $0xF;
	_ =	sdelay $0x1  }
0x128: {  	s26 =	sadd.s32 $0x200, s26;
	s17 =	sadd.s32 $0x40, s17  }
0x129: {  	s23 =	sadd.s32 $0xFFFFFFD0, s17;
	s7 =	sand.u32 $0xC00, s26;
	v46 =	vor.u32 s10, v0;
	s10 =	smov.u32 s17  }
0x12a: {  	s28 =	sand.u32 $0x40, s23;
	s7 =	sadd.s32 s7, s29;
	[tilespmem:v45+s24+$0x0] =	vst.idx.msk vm0, v46  }
0x12b: {  	s28 =	sadd.s32 s28, s7  }
0x12c: {  	v45 =	vld.idx.msk [tilespmem:v44+s28+$0x0 ss:$0x1], $0xffff;
	_ =	sdelay $0x4  }
.Ltmp11:
0x12d: {  	(pc) =	sbr.rel @p1 .LBB2_12-.Ltmp11, $4  }
0x12e: {  	vm0 =	vle.f32 v45, v43  }
0x12f: {  	v45 =	vsel vm0, $0x1, v4  }
0x130: {  	(xrf0) =	vadd.scan.msk.s32 $0xffff, v45  }
0x131: {  	s28 =	spop (v2sf)  }
0x132: {  	s26 =	sadd.s32 $0x1, s28  }
0x133: {  	v45 =	vmov s26  }
0x134: {  	v45 =	vadd.s32 $0xFFFFFFFF, v45  }
0x135: {  	v45 =	vbroadcast v45, $0x0  }
0x136: {  	v46, _, _ =	vpop (xrf0)  }
0x137: {  	v45 =	vadd.s32 v46, v45  }
0x138: {  	(v2sf) =	vpush v45, $0xF;
	_ =	sdelay $0x3  }
0x139: {  	s26 =	sadd.s32 $0xFFFFFFE0, s17  }
0x13a: {  	v53 =	vor.u32 s23, v0;
	s28 =	sand.u32 $0x50, s26  }
0x13b: {  	s23 =	sadd.s32 s28, s7;
	[tilespmem:v45+s24+$0x0] =	vst.idx.msk vm0, v53  }
0x13c: {  	v45 =	vld.idx.msk [tilespmem:v44+s23+$0x0 ss:$0x1], $0xffff;
	_ =	sdelay $0x4  }
0x13d: {  	vm13 =	vle.f32 v45, v43  }
0x13e: {  	v45 =	vsel vm13, $0x1, v4  }
0x13f: {  	(xrf0) =	vadd.scan.msk.s32 $0xffff, v45  }
0x140: {  	s30 =	spop (v2sf)  }
0x141: {  	s23 =	sadd.s32 $0x1, s30  }
0x142: {  	v54 =	vmov s23  }
0x143: {  	v45 =	vadd.s32 $0xFFFFFFFF, v54  }
0x144: {  	v45 =	vbroadcast v45, $0x0  }
0x145: {  	v55, _, _ =	vpop (xrf0)  }
0x146: {  	v45 =	vadd.s32 v55, v45  }
0x147: {  	(v2sf) =	vpush v45, $0xF;
	_ =	sdelay $0x3  }
0x148: {  	s23 =	sadd.s32 $0xFFFFFFF0, s17  }
0x149: {  	v56 =	vor.u32 s26, v0;
	s28 =	sand.u32 $0x60, s23  }
0x14a: {  	s26 =	sadd.s32 s28, s7;
	[tilespmem:v45+s24+$0x0] =	vst.idx.msk vm13, v56  }
0x14b: {  	v45 =	vld.idx.msk [tilespmem:v44+s26+$0x0 ss:$0x1], $0xffff;
	_ =	sdelay $0x4  }
0x14c: {  	vm14 =	vle.f32 v45, v43  }
0x14d: {  	v45 =	vsel vm14, $0x1, v4  }
0x14e: {  	(xrf0) =	vadd.scan.msk.s32 $0xffff, v45  }
0x14f: {  	s30 =	spop (v2sf)  }
0x150: {  	s26 =	sadd.s32 $0x1, s30  }
0x151: {  	v57 =	vmov s26  }
0x152: {  	v45 =	vadd.s32 $0xFFFFFFFF, v57  }
0x153: {  	v45 =	vbroadcast v45, $0x0  }
0x154: {  	v58, _, _ =	vpop (xrf0)  }
0x155: {  	v45 =	vadd.s32 v58, v45  }
0x156: {  	(v2sf) =	vpush v45, $0xF;
	_ =	sdelay $0x4  }
0x157: {  	v59 =	vor.u32 s23, v0;
	s23 =	sand.u32 $0x70, s17  }
0x158: {  	s26 =	sadd.s32 s23, s7;
	[tilespmem:v45+s24+$0x0] =	vst.idx.msk vm14, v59  }
0x159: {  	v60 =	vld.idx.msk [tilespmem:v44+s26+$0x0 ss:$0x1], $0xffff;
	_ =	sdelay $0x4  }
0x15a: {  	vm15 =	vle.f32 v60, v43  }
0x15b: {  	v44 =	vsel vm15, $0x1, v4  }
0x15c: {  	(xrf0) =	vadd.scan.msk.s32 $0xffff, v44  }
0x15d: {  	s28 =	spop (v2sf)  }
0x15e: {  	s7 =	sadd.s32 $0x1, s28  }
0x15f: {  	v61 =	vmov s7  }
0x160: {  	v44 =	vadd.s32 $0xFFFFFFFF, v61  }
0x161: {  	v44 =	vbroadcast v44, $0x0  }
0x162: {  	v62, _, _ =	vpop (xrf0)  }
0x163: {  	v44 =	vadd.s32 v62, v44  }
0x164: {  	(v2sf) =	vpush v44, $0xF;
	_ =	sdelay $0xe  }
0x165: {  	s30 =	spop (v2sf)  }
0x166: {  	p1 =	sgt.u32 s30, $0x7FFFFFFE  }
.Ltmp12:
0x167: {  	_ = 	snop;
	(pc) =	sbr.rel @p1 .LBB2_19-.Ltmp12, $3  }
0x168: {  	_ =	sdelay $0x1  }
0x169: {  	v63 =	vor.u32 s10, v0  }
0x16a: {  	[tilespmem:v44+s24+$0x0] =	vst.idx.msk vm15, v63;
	v44 =	vimm.s32 $0x0;
	s10 =	sadd.s32 $0x1, s30  }
0x16b: {  	v44 =	vmul.f32 v41, v41;
	v45 =	vmul.f32 v42, v42;
	_ =	sdelay $0x1  }
0x16c: {  	v63 =	vmul.f32 v40, v40;
	v44 =	vadd.f32 v45, v44;
	_ =	sdelay $0x1  }
0x16d: {  	v44 =	vadd.f32 v63, v44  }
0x16e: {  	s23 =	simm.s32 $0x0;
	s17 =	simm.s32 $0x8680  }
0x16f: {  	s7 =	simm.s32 $0xA700;
	s26 =	simm.s32 $0xA700;
	s30 =	simm.s32 $0x8680;
	v43 =	vadd.f32 v43, v44  }
.LBB2_15:
0x170: {  	v44 =	vmov s23;
	_ =	sdelay $0x4  }
0x171: {  	v44 =	vld.idx.msk [tilespmem:v44+s24+$0x0], $0xffff;
	_ =	sdelay $0x4  }
0x172: {  	v45 =	vshll.u32 v44, $0x4  }
0x173: {  	v45 =	vor.u32 v0, v45;
	_ =	sdelay $0x4  }
0x174: {  	v46 =	vld.idx.msk [tilespmem:v45+s3+$0x0], $0xffff  }
0x175: {  	v47 =	vld.idx.msk [tilespmem:v45+s18+$0x0], $0xffff;
	_ =	sdelay $0x1  }
0x176: {  	v45 =	vld.idx.msk [tilespmem:v45+s19+$0x0], $0xffff;
	_ =	sdelay $0x2  }
0x177: {  	v46 =	vsub.f32 v46, v41;
	v47 =	vsub.f32 v47, v42;
	_ =	sdelay $0x1  }
0x178: {  	v45 =	vsub.f32 v45, v40;
	v46 =	vmul.f32 v46, v46;
	v47 =	vmul.f32 v47, v47;
	_ =	sdelay $0x1  }
0x179: {  	v45 =	vmul.f32 v45, v45;
	v46 =	vadd.f32 v47, v46  }
0x17a: {  	s23 =	sadd.s32 $0x1, s23  }
0x17b: {  	p1 =	sne.s32 s10, s23;
	v45 =	vadd.f32 v45, v46  }
.Ltmp13:
0x17c: {  	_ = 	snop;
	(pc) =	sbr.rel @p1 .LBB2_15-.Ltmp13, $4  }
0x17d: {  	vm0 =	vle.f32 v45, v43  }
0x17e: {  	v45 =	vnsel vm0, $0x7F800000, v45  }
0x17f: {  	v44 =	vadd.s32 v5, v44;
	[tilespmem:s30+$0x0] =	vst v45  }
0x180: {  	s30 =	sadd.s32 $0x10, s30;
	[tilespmem:s26+$0x0] =	vst v44;
	s26 =	sadd.s32 $0x10, s26  }
0x181: {  	v44 =	vld [tilespmem:s17+$0x0];
	_ =	sdelay $0x1  }
0x182: {  	v43 =	vimm.f32 $+Inf  }
0x183: {  	v45 =	vbroadcast v43, $0xF;
	_ =	sdelay $0x1  }
0x184: {  	vm0 =	vlt.f32 v44, v45  }
0x185: {  	v45 =	vmpcnt.ones.xlane vm0;
	_ =	sdelay $0x1  }
0x186: {  	(v2sf) =	vpush v45, $0x0;
	_ =	sdelay $0xe  }
0x187: {  	s30 =	spop (v2sf)  }
0x188: {  	p2 =	slt.s32 s30, $0x1  }
0x189: {  	v45 =	vld @!p2 [tilespmem:s7+$0x0];
	_ =	sdelay $0x4  }
0x18a: {  	(xrf1) =	vsort.ascd.msk.f32 @!p2 $0xffff, v44, v45;
	_ =	sdelay $0xa  }
0x18b: {  	v44 =	vlaneseq.u32 @!p2  }
0x18c: {  	v44 =	vmul.u32 @!p2 $0xFFFFFFFF, v44;
	_ =	sdelay $0x1  }
0x18d: {  	v44 =	vadd.s32 @!p2 $0xF, v44;
	v45, v46, _ =	vpop @!p2 (xrf1)  }
0x18e: {  	v45 =	vperm.xlane @!p2 v45, v44  }
0x18f: {  	v46 =	vperm.xlane @!p2 v46, v44  }
0x190: {  	v44 =	vimm.s32 $0x0;
	vm0 =	vle.f32 @!p2 v43, v45  }
0x191: {  	v45 =	vsel @!p2 vm0, v43, v45;
	v46 =	vsel @!p2 vm0, v44, v46  }
0x192: {  	(xrf1) =	vsort.ascd.msk.f32 @!p2 $0xffff, v45, v46;
	_ =	sdelay $0x5  }
0x193: {  	s10 =	sadd.s32 $0xFFFFFFFF, s10  }
0x194: {  	p1 =	sne.s32 s10, $0x0  }
.Ltmp14:
0x195: {  	_ = 	snop;
	(pc) =	sbr.rel @!p1 .LBB2_18-.Ltmp14, $2  }
0x196: {  	_ =	sdelay $0x2  }
0x197: {  	s17 =	simm.s32 $0x8690  }
.LBB2_17:
0x198: {  	v45 =	vld [tilespmem:s17+$0x0];
	s10 =	sadd.s32 $0xFFFFFFFF, s10  }
0x199: {  	p1 =	sne.s32 s10, $0x0;
	v46, v47, _ =	vpop @!p2 (xrf1)  }
0x19a: {  	v43 =	vpsel p2, v43, v46;
	v44 =	vpsel p2, v44, v47  }
0x19b: {  	v46 =	vbroadcast v43, $0xF;
	_ =	sdelay $0x1  }
0x19c: {  	vm0 =	vlt.f32 v45, v46  }
0x19d: {  	v46 =	vmpcnt.ones.xlane vm0;
	_ =	sdelay $0x1  }
0x19e: {  	(v2sf) =	vpush v46, $0x0;
	_ =	sdelay $0xe  }
0x19f: {  	s23 =	spop (v2sf)  }
0x1a0: {  	s7 =	sadd.s32 $0x10, s7;
	p2 =	slt.s32 s23, $0x1  }
0x1a1: {  	v46 =	vld @!p2 [tilespmem:s7+$0x0];
	_ =	sdelay $0x4  }
0x1a2: {  	(xrf1) =	vsort.ascd.msk.f32 @!p2 $0xffff, v45, v46;
	_ =	sdelay $0xa  }
0x1a3: {  	v45 =	vlaneseq.u32 @!p2  }
0x1a4: {  	v45 =	vmul.u32 @!p2 $0xFFFFFFFF, v45;
	_ =	sdelay $0x1  }
0x1a5: {  	v45 =	vadd.s32 @!p2 $0xF, v45;
	v46, v47, _ =	vpop @!p2 (xrf1)  }
0x1a6: {  	v46 =	vperm.xlane @!p2 v46, v45;
	v45 =	vperm.xlane @!p2 v47, v45;
	_ =	sdelay $0x1  }
0x1a7: {  	vm0 =	vle.f32 @!p2 v43, v46  }
0x1a8: {  	v46 =	vsel @!p2 vm0, v43, v46;
	v45 =	vsel @!p2 vm0, v44, v45  }
0x1a9: {  	(xrf1) =	vsort.ascd.msk.f32 @!p2 $0xffff, v46, v45;
	_ =	sdelay $0x7  }
.Ltmp15:
0x1aa: {  	(pc) =	sbr.rel @p1 .LBB2_17-.Ltmp15, $2  }
0x1ab: {  	_ =	sdelay $0x2  }
0x1ac: {  	s17 =	sadd.s32 $0x10, s17  }
.LBB2_18:
0x1ad: {  	_ = 	snop  }
0x1ae: {  	v43, v45, _ =	vpop @!p2 (xrf1)  }
0x1af: {  	v44 =	vpsel p2, v44, v45  }
.LBB2_19:
0x1b0: {  	v43 =	vshll.u32 v44, $0x4  }
0x1b1: {  	v45 =	vshra.s32 v44, $0x9;
	v43 =	vand.u32 $0x1FF0, v43  }
0x1b2: {  	v43 =	vadd.s32 v45, v43;
	_ =	sdelay $0x4  }
0x1b3: {  	v45 =	vld.idx.msk [tilespmem:v43+s3+$0x0], $0xffff  }
0x1b4: {  	v46 =	vld.idx.msk [tilespmem:v43+s18+$0x0], $0xffff  }
0x1b5: {  	v47 =	vld.idx.msk [tilespmem:v43+s19+$0x0], $0xffff  }
.Ltmp16:
0x1b6: {  	_ = 	snop;
	(pc) =	sbr.rel @p0 .LBB2_22-.Ltmp16, $4  }
0x1b7: {  	_ = 	snop  }
0x1b8: {  	v43 =	vadd.s32 v2, v44  }
0x1b9: {  	s7 =	sshll.u32 s1, $0x4;
	s1 =	sadd.s32 $0x1, s1;
	v44 =	vor.u32 s0, v1;
	v41 =	vsub.f32 v41, v45;
	v42 =	vsub.f32 v42, v46  }
0x1ba: {  	p1 =	seq.s32 s1, $0x8;
	v45 =	vor.u32 s0, v6;
	v40 =	vsub.f32 v40, v47;
	v46 =	vor.u32 s0, v7  }
0x1bb: {  	_ =	sdelay $0x2  }
.Ltmp17:
0x1bc: {  	_ = 	snop;
	(pc) =	sbr.rel @!p1 .LBB2_11-.Ltmp17, $4  }
0x1bd: {  	[tilespmem:v44+s25+$0x0] =	vst.idx.msk $0xffff, v41  }
0x1be: {  	[tilespmem:v45+s25+$0x0] =	vst.idx.msk $0xffff, v42  }
0x1bf: {  	[tilespmem:v46+s25+$0x0] =	vst.idx.msk $0xffff, v40  }
0x1c0: {  	[tilespmem:s7+$0xC780] =	vst v43  }
0x1c1: {  	s0 =	simm.s32 $0xC780;
	s1 =	simm.s32 $0xC880;
	s30 =	sshll.u32 s13, $0x4  }
0x1c2: {  	[tilespmem:s1], [sflag:$0x3] =	stream.indirect.gather [hbm4b:s4+s15], $0x80, s0, s15, $0xb8;
	[tilespmem:$0x15080] =	vst v63  }
0x1c3: {  	p0 =	seq.s32 s11, $0x0;
	s0 =	sadd.s32 s6, s30  }
0x1c4: {  	[hbm4b:s0+s3] =	stream.linear.scatter [tilespmem:s25], [sflag:$0x7], $0x400, $0x38;
	[tilespmem:$0x15080] =	vst v63  }
0x1c5: {  	s0 =	simm.s32 @!p0 $0x4  }
.Ltmp18:
0x1c6: {  	s1 =	sshll.u32 @!p0 s13, $0x8;
	_ =	swait.ge @!p0 [sflag:s0], $0x4000;
	(pc) =	sbr.rel .LBB2_24-.Ltmp18, $4  }
0x1c7: {  	s1 =	sadd.s32 @!p0 $0x1FFFF800, s1;
	[sflag:s0] =	ssyncset.done @!p0 $0x0  }
0x1c8: {  	[sflag:s0] =	ssyncadd.s32 @!p0 $0xFFFFC000;
	s0 =	sand.u32 @!p0 $0x1FFFF800, s1  }
0x1c9: {  	s7 =	simm.s32 @!p0 $0x10880;
	s1 =	simm.s32 @!p0 $0x0;
	s0 =	sadd.s32 @!p0 s5, s0  }
0x1ca: {  	[hbm4b:s0+s1] =	stream.linear.scatter @!p0 [tilespmem:s7], [sflag:$0x6], $0x4000, $0x38;
	[tilespmem:$0x15080] =	vst v63  }
.LBB2_26:
0x1cb: {  	_ =	sfence.sel $0x180000  }
0x1cc: {  	[bflag:$0x0] =	sbarrier.arrive $0xFFFF  }
0x1cd: {  	_ =	strace $0x90000047  }
0x1ce: {  	s0 =	stileid.u32;
	[bflag:$0x2] =	sbarrier.arrive $0xFFFF  }
0x1cf: {  	p0 =	sne.s32 s0, $0x0;
	s0 =	rddreg [dreg:$0x1]  }
0x1d0: {  	s0 =	sadd.s32 @!p0 $0x100000, s0  }
0x1d1: {  	[sflag:s0] =	ssyncadd.tile.s32 @!p0 $0x1;
	_ =	shalt  }
.Lfunc_end2:
_tile_overlayer_lowered:
.L_overlay_start_2:
0x1d2: {  	(tag) =	ssettag $0x2  }
0x1d3: {  	s0 =	rddreg [dreg:$0x0];
	s2 =	stileid.u32  }
0x1d4: {  	s1 =	rddreg [dreg:$0x1];
	p0 =	sne.s32 s2, $0x0  }
0x1d5: {  	s3 =	rddreg [dreg:$0x2];
	[bflag:$0x3] =	sbarrier.arrive $0xFFFF;
	s2 =	simm.s32 @!p0 $0x1C09  }
0x1d6: {  	[timem:s3], [sflag:s2] =	dma.local @!p0 [hbm:s0], s1  }
0x1d7: {  	s0 =	simm.s32 @!p0 $0x9  }
0x1d8: {  	_ =	swait.ge @!p0 [sflag:s0], s1  }
0x1d9: {  	s1 =	ssub.s32 @!p0 $0x0, s1;
	[sflag:s0] =	ssyncset.done @!p0 $0x0  }
0x1da: {  	[sflag:s0] =	ssyncadd.s32 @!p0 s1  }
0x1db: {  	[bflag:$0x3] =	sbarrier.arrive $0xFFFF  }
0x1dc: {  	_ =	shalt  }

</sc_bundles>
